<compile_context>
chip_gen: v7x
topology: tpu7x:2x2x1
jax: 0.10.2.dev20260603
libtpu: 0.0.44.dev20260713+nightly
codegen_flags: <defaults>
</compile_context>

<pallas_src>
import functools

import jax
import jax.numpy as jnp
from jax import lax
from jax.experimental import pallas as pl
from jax.experimental.pallas import tpu as pltpu
from jax.experimental.pallas import tpu_sc as plsc

VOCAB = 100000
UNKNOWN_IDX = 1

_NC, _NS, _L = 2, 16, 16
_NW = _NC * _NS


def _make_kernel(rows: int, cols: int):
    r_per = rows // _NW
    n_full = cols // _L
    tail = cols - n_full * _L
    if tail:
        assert _L % tail == 0 and r_per % (_L // tail) == 0
        rows_per_group = _L // tail
    mesh = plsc.VectorSubcoreMesh(core_axis_name="c", subcore_axis_name="s")

    @functools.partial(
        pl.kernel,
        mesh=mesh,
        out_type=jax.ShapeDtypeStruct((rows, cols), jnp.int32),
        scratch_types=[
            pltpu.VMEM((VOCAB,), jnp.int32),
            pltpu.VMEM((r_per, cols), jnp.int32),
            pltpu.VMEM_SHARED((VOCAB,), jnp.int32),
            pltpu.SemaphoreType.DMA,
            pltpu.SemaphoreType.DMA,
            pltpu.SemaphoreType.DMA,
        ],
        compiler_params=pltpu.CompilerParams(needs_layout_passes=False),
    )
    def k(x_hbm, lookup_hbm, out_hbm, table_v, buf_v, sp_table, sem_t,
          sem_x, sem_s):
        sid = lax.axis_index("s")
        wid = sid * _NC + lax.axis_index("c")
        base = wid * r_per
        cp_x = pltpu.async_copy(x_hbm.at[pl.ds(base, r_per)], buf_v, sem_x)

        sl_a = 6256
        sl_b = VOCAB - 15 * sl_a

        @pl.when(sid < 15)
        def _():
            pltpu.async_copy(
                lookup_hbm.at[pl.ds(sid * sl_a, sl_a)],
                table_v.at[pl.ds(sid * sl_a, sl_a)],
                sem_s,
            ).wait()
            pltpu.async_copy(
                table_v.at[pl.ds(sid * sl_a, sl_a)],
                sp_table.at[pl.ds(sid * sl_a, sl_a)],
                sem_s,
            ).wait()

        @pl.when(sid == 15)
        def _():
            pltpu.async_copy(
                lookup_hbm.at[pl.ds(15 * sl_a, sl_b)],
                table_v.at[pl.ds(15 * sl_a, sl_b)],
                sem_s,
            ).wait()
            pltpu.async_copy(
                table_v.at[pl.ds(15 * sl_a, sl_b)],
                sp_table.at[pl.ds(15 * sl_a, sl_b)],
                sem_s,
            ).wait()

        plsc.subcore_barrier()
        cp_t = pltpu.async_copy(sp_table, table_v, sem_t)
        cp_x.wait()
        cp_t.wait()

        def transform(idx):
            mask = plsc.bitcast(idx, jnp.uint32) < jnp.uint32(VOCAB)
            safe = jnp.where(mask, idx, jnp.int32(0))
            g = plsc.load_gather(table_v, [safe])
            return jnp.where(mask, g + UNKNOWN_IDX, jnp.int32(UNKNOWN_IDX))

        @plsc.parallel_loop(0, r_per, 1, unroll=2)
        def rowbody(r):
            for j in range(n_full):
                sl = pl.ds(j * _L, _L)
                buf_v[r, sl] = transform(buf_v[r, sl])

        if tail:
            @plsc.parallel_loop(0, r_per, rows_per_group, unroll=2)
            def tailbody(r0):
                lanes = lax.iota(jnp.int32, _L)
                row = r0 + (lanes // tail)
                col = (cols - tail) + (lanes % tail)
                vals = plsc.load_gather(buf_v, [row, col])
                plsc.store_scatter(buf_v, [row, col], transform(vals))

        pltpu.sync_copy(buf_v, out_hbm.at[pl.ds(base, r_per)])

    return k


def kernel(x, lookup):
    rows, cols = x.shape
    return _make_kernel(rows, cols)(x, lookup)

# --- scband reference (transcript-rebuilt; emitter-appended) ---
"""Pipeline reference for scband-int-index-lookup-29506425324231 (READ-ONLY COPY).

The authoritative reference and input builder live on the scoring server;
editing this copy changes nothing except your own understanding.
"""

import jax, jax.numpy as jnp
import numpy as np

VOCAB = 100000
KEY_MIN = 0
KEY_MAX = VOCAB - 1
PADDING_IDX = 0
UNKNOWN_IDX = 1


def setup_inputs(seed: int = 0) -> dict:
    key = jax.random.key(seed)
    k1, k2 = jax.random.split(key)
    # forward input: raw integer keys, some out of the known range [0, VOCAB-1]
    x = jax.random.randint(k1, (4096, 100), 0, 120000, dtype=jnp.int32)
    # Materialize the state produced by apply_stats: a dense lookup mapping
    # key -> (assigned_index - unknown_idx). In the torch module, keys sorted by
    # count get indices i skipping {padding_idx, unknown_idx} = {0, 1}, so the
    # stored values (i - unknown_idx) form a permutation of 1..VOCAB.
    lookup = jax.random.permutation(k2, jnp.arange(1, VOCAB + 1, dtype=jnp.int32))
    return {"x": x, "lookup": lookup}


def reference(x, lookup):
    # out = unknown_idx everywhere
    # mask = (x >= key_min) & (x <= key_max)
    # out[mask] += lookup[x[mask] - key_min]
    mask = (x >= KEY_MIN) & (x <= KEY_MAX)
    safe_idx = jnp.clip(x - KEY_MIN, 0, VOCAB - 1)
    gathered = jnp.take(lookup, safe_idx, axis=0)
    out = jnp.where(mask, UNKNOWN_IDX + gathered, UNKNOWN_IDX)
    return out.astype(jnp.int32)

if __name__ == "__main__":
    import jax
    _d = setup_inputs()
    print(jax.jit(kernel)(*tuple(_d.values())))

</pallas_src>

<mosaic_0001>
#map = affine_map<(d0, d1) -> (0, 0)>
#map1 = affine_map<(d0, d1) -> (0)>
module attributes {stable_mosaic.version = 14 : i64} {
  func.func @k(%arg0: i32, %arg1: i32, %arg2: memref<4096x100xi32, #tpu.memory_space<hbm>>, %arg3: memref<100000xi32, #tpu.memory_space<hbm>>, %arg4: memref<4096x100xi32, #tpu.memory_space<hbm>>, %arg5: memref<100000xi32, #tpu.memory_space<vmem>>, %arg6: memref<128x100xi32, #tpu.memory_space<vmem>>, %arg7: memref<100000xi32, #tpu.memory_space<vmem_shared>>, %arg8: memref<!tpu.dma_semaphore, #tpu.memory_space<semaphore_mem>>, %arg9: memref<!tpu.dma_semaphore, #tpu.memory_space<semaphore_mem>>, %arg10: memref<!tpu.dma_semaphore, #tpu.memory_space<semaphore_mem>>) attributes {dimension_semantics = [#tpu.dimension_semantics<core_parallel>, #tpu.dimension_semantics<subcore_parallel>], iteration_bounds = array<i64: 2, 16>, scalar_prefetch = 0 : i64, scratch_operands = 6 : i64, tpu.core_type = #tpu.core_type<sc_vector_subcore>, window_params = [{transform_indices = #map}, {transform_indices = #map1}, {transform_indices = #map}]} {
    %mul3A = arith.constant 2 : i32
    %mul3A_0 = arith.muli %arg1, %mul3A : i32
    %add3A = arith.addi %mul3A_0, %arg0 : i32
    %mul3A_1 = arith.constant 128 : i32
    %mul3A_2 = arith.muli %add3A, %mul3A_1 : i32
    %dma_start3A = arith.constant 0 : i32
    %dma_start3A_3 = tpu.memref_slice %arg2[%mul3A_2, %dma_start3A] : memref<4096x100xi32, #tpu.memory_space<hbm>> -> memref<128x100xi32, #tpu.memory_space<hbm>>
    %dma_start3A_4 = arith.constant 0 : i32
    %dma_start3A_5 = tpu.memref_slice %arg2[%mul3A_2, %dma_start3A_4] : memref<4096x100xi32, #tpu.memory_space<hbm>> -> memref<128x100xi32, #tpu.memory_space<hbm>>
    tpu.enqueue_dma source(%dma_start3A_5 : memref<128x100xi32, #tpu.memory_space<hbm>>) target(%arg6 : memref<128x100xi32, #tpu.memory_space<vmem>>) target_semaphore(%arg9 : memref<!tpu.dma_semaphore, #tpu.memory_space<semaphore_mem>>)
    %lt3A = arith.constant 15 : i32
    %lt3A_6 = arith.cmpi slt, %arg1, %lt3A : i32
    %convert_element_type3A = arith.extui %lt3A_6 : i1 to i32
    %cond3A = arith.constant 0 : i32
    %cond3A_7 = arith.cmpi ne, %convert_element_type3A, %cond3A : i32
    scf.if %cond3A_7 {
      %mul3A_20 = arith.constant 6256 : i32
      %mul3A_21 = arith.muli %arg1, %mul3A_20 : i32
      %mul3A_22 = arith.constant 6256 : i32
      %mul3A_23 = arith.muli %arg1, %mul3A_22 : i32
      %dma_start3A_24 = tpu.memref_slice %arg5[%mul3A_23] : memref<100000xi32, #tpu.memory_space<vmem>> -> memref<6256xi32, #tpu.memory_space<vmem>>
      %dma_start3A_25 = tpu.memref_slice %arg3[%mul3A_21] : memref<100000xi32, #tpu.memory_space<hbm>> -> memref<6256xi32, #tpu.memory_space<hbm>>
      %dma_start3A_26 = tpu.memref_slice %arg5[%mul3A_23] : memref<100000xi32, #tpu.memory_space<vmem>> -> memref<6256xi32, #tpu.memory_space<vmem>>
      %dma_start3A_27 = tpu.memref_slice %arg3[%mul3A_21] : memref<100000xi32, #tpu.memory_space<hbm>> -> memref<6256xi32, #tpu.memory_space<hbm>>
      tpu.enqueue_dma source(%dma_start3A_27 : memref<6256xi32, #tpu.memory_space<hbm>>) target(%dma_start3A_26 : memref<6256xi32, #tpu.memory_space<vmem>>) target_semaphore(%arg10 : memref<!tpu.dma_semaphore, #tpu.memory_space<semaphore_mem>>)
      %dma_wait3A_28 = tpu.memref_slice %arg5[%mul3A_23] : memref<100000xi32, #tpu.memory_space<vmem>> -> memref<6256xi32, #tpu.memory_space<vmem>>
      %dma_wait3A_29 = tpu.memref_slice %arg3[%mul3A_21] : memref<100000xi32, #tpu.memory_space<hbm>> -> memref<6256xi32, #tpu.memory_space<hbm>>
      %dma_wait3A_30 = tpu.memref_slice %arg5[%mul3A_23] : memref<100000xi32, #tpu.memory_space<vmem>> -> memref<6256xi32, #tpu.memory_space<vmem>>
      %dma_wait3A_31 = tpu.memref_slice %arg3[%mul3A_21] : memref<100000xi32, #tpu.memory_space<hbm>> -> memref<6256xi32, #tpu.memory_space<hbm>>
      tpu.wait_dma2 semaphore(%arg10 : memref<!tpu.dma_semaphore, #tpu.memory_space<semaphore_mem>>) src(%dma_wait3A_31 : memref<6256xi32, #tpu.memory_space<hbm>>) dst(%dma_wait3A_30 : memref<6256xi32, #tpu.memory_space<vmem>>)
      %mul3A_32 = arith.constant 6256 : i32
      %mul3A_33 = arith.muli %arg1, %mul3A_32 : i32
      %mul3A_34 = arith.constant 6256 : i32
      %mul3A_35 = arith.muli %arg1, %mul3A_34 : i32
      %dma_start3A_36 = tpu.memref_slice %arg5[%mul3A_33] : memref<100000xi32, #tpu.memory_space<vmem>> -> memref<6256xi32, #tpu.memory_space<vmem>>
      %dma_start3A_37 = tpu.memref_slice %arg7[%mul3A_35] : memref<100000xi32, #tpu.memory_space<vmem_shared>> -> memref<6256xi32, #tpu.memory_space<vmem_shared>>
      %dma_start3A_38 = tpu.memref_slice %arg7[%mul3A_35] : memref<100000xi32, #tpu.memory_space<vmem_shared>> -> memref<6256xi32, #tpu.memory_space<vmem_shared>>
      %dma_start3A_39 = tpu.memref_slice %arg5[%mul3A_33] : memref<100000xi32, #tpu.memory_space<vmem>> -> memref<6256xi32, #tpu.memory_space<vmem>>
      tpu.enqueue_dma source(%dma_start3A_39 : memref<6256xi32, #tpu.memory_space<vmem>>) target(%dma_start3A_38 : memref<6256xi32, #tpu.memory_space<vmem_shared>>) target_semaphore(%arg10 : memref<!tpu.dma_semaphore, #tpu.memory_space<semaphore_mem>>)
      %dma_wait3A_40 = tpu.memref_slice %arg5[%mul3A_33] : memref<100000xi32, #tpu.memory_space<vmem>> -> memref<6256xi32, #tpu.memory_space<vmem>>
      %dma_wait3A_41 = tpu.memref_slice %arg7[%mul3A_35] : memref<100000xi32, #tpu.memory_space<vmem_shared>> -> memref<6256xi32, #tpu.memory_space<vmem_shared>>
      %dma_wait3A_42 = tpu.memref_slice %arg7[%mul3A_35] : memref<100000xi32, #tpu.memory_space<vmem_shared>> -> memref<6256xi32, #tpu.memory_space<vmem_shared>>
      %dma_wait3A_43 = tpu.memref_slice %arg5[%mul3A_33] : memref<100000xi32, #tpu.memory_space<vmem>> -> memref<6256xi32, #tpu.memory_space<vmem>>
      tpu.wait_dma2 semaphore(%arg10 : memref<!tpu.dma_semaphore, #tpu.memory_space<semaphore_mem>>) src(%dma_wait3A_43 : memref<6256xi32, #tpu.memory_space<vmem>>) dst(%dma_wait3A_42 : memref<6256xi32, #tpu.memory_space<vmem_shared>>)
    } else {
    }
    %eq3A = arith.constant 15 : i32
    %eq3A_8 = arith.cmpi eq, %arg1, %eq3A : i32
    %convert_element_type3A_9 = arith.extui %eq3A_8 : i1 to i32
    %cond3A_10 = arith.constant 0 : i32
    %cond3A_11 = arith.cmpi ne, %convert_element_type3A_9, %cond3A_10 : i32
    scf.if %cond3A_11 {
      %dma_start3A_20 = arith.constant 93840 : i32
      %dma_start3A_21 = tpu.memref_slice %arg5[%dma_start3A_20] : memref<100000xi32, #tpu.memory_space<vmem>> -> memref<6160xi32, #tpu.memory_space<vmem>>
      %dma_start3A_22 = arith.constant 93840 : i32
      %dma_start3A_23 = tpu.memref_slice %arg3[%dma_start3A_22] : memref<100000xi32, #tpu.memory_space<hbm>> -> memref<6160xi32, #tpu.memory_space<hbm>>
      %dma_start3A_24 = arith.constant 93840 : i32
      %dma_start3A_25 = tpu.memref_slice %arg5[%dma_start3A_24] : memref<100000xi32, #tpu.memory_space<vmem>> -> memref<6160xi32, #tpu.memory_space<vmem>>
      %dma_start3A_26 = arith.constant 93840 : i32
      %dma_start3A_27 = tpu.memref_slice %arg3[%dma_start3A_26] : memref<100000xi32, #tpu.memory_space<hbm>> -> memref<6160xi32, #tpu.memory_space<hbm>>
      tpu.enqueue_dma source(%dma_start3A_27 : memref<6160xi32, #tpu.memory_space<hbm>>) target(%dma_start3A_25 : memref<6160xi32, #tpu.memory_space<vmem>>) target_semaphore(%arg10 : memref<!tpu.dma_semaphore, #tpu.memory_space<semaphore_mem>>)
      %dma_wait3A_28 = arith.constant 93840 : i32
      %dma_wait3A_29 = tpu.memref_slice %arg5[%dma_wait3A_28] : memref<100000xi32, #tpu.memory_space<vmem>> -> memref<6160xi32, #tpu.memory_space<vmem>>
      %dma_wait3A_30 = arith.constant 93840 : i32
      %dma_wait3A_31 = tpu.memref_slice %arg3[%dma_wait3A_30] : memref<100000xi32, #tpu.memory_space<hbm>> -> memref<6160xi32, #tpu.memory_space<hbm>>
      %dma_wait3A_32 = arith.constant 93840 : i32
      %dma_wait3A_33 = tpu.memref_slice %arg5[%dma_wait3A_32] : memref<100000xi32, #tpu.memory_space<vmem>> -> memref<6160xi32, #tpu.memory_space<vmem>>
      %dma_wait3A_34 = arith.constant 93840 : i32
      %dma_wait3A_35 = tpu.memref_slice %arg3[%dma_wait3A_34] : memref<100000xi32, #tpu.memory_space<hbm>> -> memref<6160xi32, #tpu.memory_space<hbm>>
      tpu.wait_dma2 semaphore(%arg10 : memref<!tpu.dma_semaphore, #tpu.memory_space<semaphore_mem>>) src(%dma_wait3A_35 : memref<6160xi32, #tpu.memory_space<hbm>>) dst(%dma_wait3A_33 : memref<6160xi32, #tpu.memory_space<vmem>>)
      %dma_start3A_36 = arith.constant 93840 : i32
      %dma_start3A_37 = tpu.memref_slice %arg5[%dma_start3A_36] : memref<100000xi32, #tpu.memory_space<vmem>> -> memref<6160xi32, #tpu.memory_space<vmem>>
      %dma_start3A_38 = arith.constant 93840 : i32
      %dma_start3A_39 = tpu.memref_slice %arg7[%dma_start3A_38] : memref<100000xi32, #tpu.memory_space<vmem_shared>> -> memref<6160xi32, #tpu.memory_space<vmem_shared>>
      %dma_start3A_40 = arith.constant 93840 : i32
      %dma_start3A_41 = tpu.memref_slice %arg7[%dma_start3A_40] : memref<100000xi32, #tpu.memory_space<vmem_shared>> -> memref<6160xi32, #tpu.memory_space<vmem_shared>>
      %dma_start3A_42 = arith.constant 93840 : i32
      %dma_start3A_43 = tpu.memref_slice %arg5[%dma_start3A_42] : memref<100000xi32, #tpu.memory_space<vmem>> -> memref<6160xi32, #tpu.memory_space<vmem>>
      tpu.enqueue_dma source(%dma_start3A_43 : memref<6160xi32, #tpu.memory_space<vmem>>) target(%dma_start3A_41 : memref<6160xi32, #tpu.memory_space<vmem_shared>>) target_semaphore(%arg10 : memref<!tpu.dma_semaphore, #tpu.memory_space<semaphore_mem>>)
      %dma_wait3A_44 = arith.constant 93840 : i32
      %dma_wait3A_45 = tpu.memref_slice %arg5[%dma_wait3A_44] : memref<100000xi32, #tpu.memory_space<vmem>> -> memref<6160xi32, #tpu.memory_space<vmem>>
      %dma_wait3A_46 = arith.constant 93840 : i32
      %dma_wait3A_47 = tpu.memref_slice %arg7[%dma_wait3A_46] : memref<100000xi32, #tpu.memory_space<vmem_shared>> -> memref<6160xi32, #tpu.memory_space<vmem_shared>>
      %dma_wait3A_48 = arith.constant 93840 : i32
      %dma_wait3A_49 = tpu.memref_slice %arg7[%dma_wait3A_48] : memref<100000xi32, #tpu.memory_space<vmem_shared>> -> memref<6160xi32, #tpu.memory_space<vmem_shared>>
      %dma_wait3A_50 = arith.constant 93840 : i32
      %dma_wait3A_51 = tpu.memref_slice %arg5[%dma_wait3A_50] : memref<100000xi32, #tpu.memory_space<vmem>> -> memref<6160xi32, #tpu.memory_space<vmem>>
      tpu.wait_dma2 semaphore(%arg10 : memref<!tpu.dma_semaphore, #tpu.memory_space<semaphore_mem>>) src(%dma_wait3A_51 : memref<6160xi32, #tpu.memory_space<vmem>>) dst(%dma_wait3A_49 : memref<6160xi32, #tpu.memory_space<vmem_shared>>)
    } else {
    }
    %barrier3A = arith.constant 0 : index
    tpu.barrier barrier_id(%barrier3A)
    tpu.enqueue_dma source(%arg7 : memref<100000xi32, #tpu.memory_space<vmem_shared>>) target(%arg5 : memref<100000xi32, #tpu.memory_space<vmem>>) target_semaphore(%arg8 : memref<!tpu.dma_semaphore, #tpu.memory_space<semaphore_mem>>)
    %dma_wait3A = arith.constant 0 : i32
    %dma_wait3A_12 = tpu.memref_slice %arg2[%mul3A_2, %dma_wait3A] : memref<4096x100xi32, #tpu.memory_space<hbm>> -> memref<128x100xi32, #tpu.memory_space<hbm>>
    %dma_wait3A_13 = arith.constant 0 : i32
    %dma_wait3A_14 = tpu.memref_slice %arg2[%mul3A_2, %dma_wait3A_13] : memref<4096x100xi32, #tpu.memory_space<hbm>> -> memref<128x100xi32, #tpu.memory_space<hbm>>
    tpu.wait_dma2 semaphore(%arg9 : memref<!tpu.dma_semaphore, #tpu.memory_space<semaphore_mem>>) src(%dma_wait3A_14 : memref<128x100xi32, #tpu.memory_space<hbm>>) dst(%arg6 : memref<128x100xi32, #tpu.memory_space<vmem>>)
    tpu.wait_dma2 semaphore(%arg8 : memref<!tpu.dma_semaphore, #tpu.memory_space<semaphore_mem>>) src(%arg7 : memref<100000xi32, #tpu.memory_space<vmem_shared>>) dst(%arg5 : memref<100000xi32, #tpu.memory_space<vmem>>)
    %parallel_loop3A = arith.constant 0 : i32
    %parallel_loop3A_15 = arith.constant 128 : i32
    %parallel_loop3A_16 = arith.constant 1 : i32
    scf.for %parallel_loop3A_20 = %parallel_loop3A to %parallel_loop3A_15 step %parallel_loop3A_16  : i32 {
      %parallel_loop3A_21 = arith.index_cast %parallel_loop3A_20 : i32 to index
      %parallel_loop3A_22 = arith.constant 0 : index
      %parallel_loop3A_23 = tpu.vector_load %arg6[%parallel_loop3A_21, %parallel_loop3A_22] {strides = array<i32>} : memref<128x100xi32, #tpu.memory_space<vmem>>, vector<16xi32>,
      %parallel_loop3A_24 = vector.bitcast %parallel_loop3A_23 : vector<16xi32> to vector<16xi32>
      %parallel_loop3A_25 = arith.constant 100000 : i32
      %parallel_loop3A_26 = vector.broadcast %parallel_loop3A_25 : i32 to vector<16xi32>
      %parallel_loop3A_27 = arith.cmpi ult, %parallel_loop3A_24, %parallel_loop3A_26 : vector<16xi32>
      %parallel_loop3A_28 = arith.constant 0 : i32
      %parallel_loop3A_29 = vector.broadcast %parallel_loop3A_28 : i32 to vector<16xi32>
      %parallel_loop3A_30 = arith.select %parallel_loop3A_27, %parallel_loop3A_23, %parallel_loop3A_29 : vector<16xi1>, vector<16xi32>
      %parallel_loop3A_31 = tpu.vector_load_idx %arg5[%parallel_loop3A_30] : memref<100000xi32, #tpu.memory_space<vmem>>[vector<16xi32>], vector<16xi32>,
      %parallel_loop3A_32 = arith.constant 1 : i32
      %parallel_loop3A_33 = vector.broadcast %parallel_loop3A_32 : i32 to vector<16xi32>
      %parallel_loop3A_34 = arith.addi %parallel_loop3A_31, %parallel_loop3A_33 : vector<16xi32>
      %parallel_loop3A_35 = arith.constant 1 : i32
      %parallel_loop3A_36 = vector.broadcast %parallel_loop3A_35 : i32 to vector<16xi32>
      %parallel_loop3A_37 = arith.select %parallel_loop3A_27, %parallel_loop3A_34, %parallel_loop3A_36 : vector<16xi1>, vector<16xi32>
      %parallel_loop3A_38 = arith.index_cast %parallel_loop3A_20 : i32 to index
      %parallel_loop3A_39 = arith.constant 0 : index
      %parallel_loop3A_40 = tpu.vector_load %arg6[%parallel_loop3A_38, %parallel_loop3A_39] {strides = array<i32>} : memref<128x100xi32, #tpu.memory_space<vmem>>, vector<16xi32>,
      tpu.vector_store %arg6[%parallel_loop3A_38, %parallel_loop3A_39], %parallel_loop3A_37 {strides = array<i32>} : memref<128x100xi32, #tpu.memory_space<vmem>>, vector<16xi32>,
      %parallel_loop3A_41 = arith.index_cast %parallel_loop3A_20 : i32 to index
      %parallel_loop3A_42 = arith.constant 16 : index
      %parallel_loop3A_43 = tpu.vector_load %arg6[%parallel_loop3A_41, %parallel_loop3A_42] {strides = array<i32>} : memref<128x100xi32, #tpu.memory_space<vmem>>, vector<16xi32>,
      %parallel_loop3A_44 = vector.bitcast %parallel_loop3A_43 : vector<16xi32> to vector<16xi32>
      %parallel_loop3A_45 = arith.constant 100000 : i32
      %parallel_loop3A_46 = vector.broadcast %parallel_loop3A_45 : i32 to vector<16xi32>
      %parallel_loop3A_47 = arith.cmpi ult, %parallel_loop3A_44, %parallel_loop3A_46 : vector<16xi32>
      %parallel_loop3A_48 = arith.constant 0 : i32
      %parallel_loop3A_49 = vector.broadcast %parallel_loop3A_48 : i32 to vector<16xi32>
      %parallel_loop3A_50 = arith.select %parallel_loop3A_47, %parallel_loop3A_43, %parallel_loop3A_49 : vector<16xi1>, vector<16xi32>
      %parallel_loop3A_51 = tpu.vector_load_idx %arg5[%parallel_loop3A_50] : memref<100000xi32, #tpu.memory_space<vmem>>[vector<16xi32>], vector<16xi32>,
      %parallel_loop3A_52 = arith.constant 1 : i32
      %parallel_loop3A_53 = vector.broadcast %parallel_loop3A_52 : i32 to vector<16xi32>
      %parallel_loop3A_54 = arith.addi %parallel_loop3A_51, %parallel_loop3A_53 : vector<16xi32>
      %parallel_loop3A_55 = arith.constant 1 : i32
      %parallel_loop3A_56 = vector.broadcast %parallel_loop3A_55 : i32 to vector<16xi32>
      %parallel_loop3A_57 = arith.select %parallel_loop3A_47, %parallel_loop3A_54, %parallel_loop3A_56 : vector<16xi1>, vector<16xi32>
      %parallel_loop3A_58 = arith.index_cast %parallel_loop3A_20 : i32 to index
      %parallel_loop3A_59 = arith.constant 16 : index
      %parallel_loop3A_60 = tpu.vector_load %arg6[%parallel_loop3A_58, %parallel_loop3A_59] {strides = array<i32>} : memref<128x100xi32, #tpu.memory_space<vmem>>, vector<16xi32>,
      tpu.vector_store %arg6[%parallel_loop3A_58, %parallel_loop3A_59], %parallel_loop3A_57 {strides = array<i32>} : memref<128x100xi32, #tpu.memory_space<vmem>>, vector<16xi32>,
      %parallel_loop3A_61 = arith.index_cast %parallel_loop3A_20 : i32 to index
      %parallel_loop3A_62 = arith.constant 32 : index
      %parallel_loop3A_63 = tpu.vector_load %arg6[%parallel_loop3A_61, %parallel_loop3A_62] {strides = array<i32>} : memref<128x100xi32, #tpu.memory_space<vmem>>, vector<16xi32>,
      %parallel_loop3A_64 = vector.bitcast %parallel_loop3A_63 : vector<16xi32> to vector<16xi32>
      %parallel_loop3A_65 = arith.constant 100000 : i32
      %parallel_loop3A_66 = vector.broadcast %parallel_loop3A_65 : i32 to vector<16xi32>
      %parallel_loop3A_67 = arith.cmpi ult, %parallel_loop3A_64, %parallel_loop3A_66 : vector<16xi32>
      %parallel_loop3A_68 = arith.constant 0 : i32
      %parallel_loop3A_69 = vector.broadcast %parallel_loop3A_68 : i32 to vector<16xi32>
      %parallel_loop3A_70 = arith.select %parallel_loop3A_67, %parallel_loop3A_63, %parallel_loop3A_69 : vector<16xi1>, vector<16xi32>
      %parallel_loop3A_71 = tpu.vector_load_idx %arg5[%parallel_loop3A_70] : memref<100000xi32, #tpu.memory_space<vmem>>[vector<16xi32>], vector<16xi32>,
      %parallel_loop3A_72 = arith.constant 1 : i32
      %parallel_loop3A_73 = vector.broadcast %parallel_loop3A_72 : i32 to vector<16xi32>
      %parallel_loop3A_74 = arith.addi %parallel_loop3A_71, %parallel_loop3A_73 : vector<16xi32>
      %parallel_loop3A_75 = arith.constant 1 : i32
      %parallel_loop3A_76 = vector.broadcast %parallel_loop3A_75 : i32 to vector<16xi32>
      %parallel_loop3A_77 = arith.select %parallel_loop3A_67, %parallel_loop3A_74, %parallel_loop3A_76 : vector<16xi1>, vector<16xi32>
      %parallel_loop3A_78 = arith.index_cast %parallel_loop3A_20 : i32 to index
      %parallel_loop3A_79 = arith.constant 32 : index
      %parallel_loop3A_80 = tpu.vector_load %arg6[%parallel_loop3A_78, %parallel_loop3A_79] {strides = array<i32>} : memref<128x100xi32, #tpu.memory_space<vmem>>, vector<16xi32>,
      tpu.vector_store %arg6[%parallel_loop3A_78, %parallel_loop3A_79], %parallel_loop3A_77 {strides = array<i32>} : memref<128x100xi32, #tpu.memory_space<vmem>>, vector<16xi32>,
      %parallel_loop3A_81 = arith.index_cast %parallel_loop3A_20 : i32 to index
      %parallel_loop3A_82 = arith.constant 48 : index
      %parallel_loop3A_83 = tpu.vector_load %arg6[%parallel_loop3A_81, %parallel_loop3A_82] {strides = array<i32>} : memref<128x100xi32, #tpu.memory_space<vmem>>, vector<16xi32>,
      %parallel_loop3A_84 = vector.bitcast %parallel_loop3A_83 : vector<16xi32> to vector<16xi32>
      %parallel_loop3A_85 = arith.constant 100000 : i32
      %parallel_loop3A_86 = vector.broadcast %parallel_loop3A_85 : i32 to vector<16xi32>
      %parallel_loop3A_87 = arith.cmpi ult, %parallel_loop3A_84, %parallel_loop3A_86 : vector<16xi32>
      %parallel_loop3A_88 = arith.constant 0 : i32
      %parallel_loop3A_89 = vector.broadcast %parallel_loop3A_88 : i32 to vector<16xi32>
      %parallel_loop3A_90 = arith.select %parallel_loop3A_87, %parallel_loop3A_83, %parallel_loop3A_89 : vector<16xi1>, vector<16xi32>
      %parallel_loop3A_91 = tpu.vector_load_idx %arg5[%parallel_loop3A_90] : memref<100000xi32, #tpu.memory_space<vmem>>[vector<16xi32>], vector<16xi32>,
      %parallel_loop3A_92 = arith.constant 1 : i32
      %parallel_loop3A_93 = vector.broadcast %parallel_loop3A_92 : i32 to vector<16xi32>
      %parallel_loop3A_94 = arith.addi %parallel_loop3A_91, %parallel_loop3A_93 : vector<16xi32>
      %parallel_loop3A_95 = arith.constant 1 : i32
      %parallel_loop3A_96 = vector.broadcast %parallel_loop3A_95 : i32 to vector<16xi32>
      %parallel_loop3A_97 = arith.select %parallel_loop3A_87, %parallel_loop3A_94, %parallel_loop3A_96 : vector<16xi1>, vector<16xi32>
      %parallel_loop3A_98 = arith.index_cast %parallel_loop3A_20 : i32 to index
      %parallel_loop3A_99 = arith.constant 48 : index
      %parallel_loop3A_100 = tpu.vector_load %arg6[%parallel_loop3A_98, %parallel_loop3A_99] {strides = array<i32>} : memref<128x100xi32, #tpu.memory_space<vmem>>, vector<16xi32>,
      tpu.vector_store %arg6[%parallel_loop3A_98, %parallel_loop3A_99], %parallel_loop3A_97 {strides = array<i32>} : memref<128x100xi32, #tpu.memory_space<vmem>>, vector<16xi32>,
      %parallel_loop3A_101 = arith.index_cast %parallel_loop3A_20 : i32 to index
      %parallel_loop3A_102 = arith.constant 64 : index
      %parallel_loop3A_103 = tpu.vector_load %arg6[%parallel_loop3A_101, %parallel_loop3A_102] {strides = array<i32>} : memref<128x100xi32, #tpu.memory_space<vmem>>, vector<16xi32>,
      %parallel_loop3A_104 = vector.bitcast %parallel_loop3A_103 : vector<16xi32> to vector<16xi32>
      %parallel_loop3A_105 = arith.constant 100000 : i32
      %parallel_loop3A_106 = vector.broadcast %parallel_loop3A_105 : i32 to vector<16xi32>
      %parallel_loop3A_107 = arith.cmpi ult, %parallel_loop3A_104, %parallel_loop3A_106 : vector<16xi32>
      %parallel_loop3A_108 = arith.constant 0 : i32
      %parallel_loop3A_109 = vector.broadcast %parallel_loop3A_108 : i32 to vector<16xi32>
      %parallel_loop3A_110 = arith.select %parallel_loop3A_107, %parallel_loop3A_103, %parallel_loop3A_109 : vector<16xi1>, vector<16xi32>
      %parallel_loop3A_111 = tpu.vector_load_idx %arg5[%parallel_loop3A_110] : memref<100000xi32, #tpu.memory_space<vmem>>[vector<16xi32>], vector<16xi32>,
      %parallel_loop3A_112 = arith.constant 1 : i32
      %parallel_loop3A_113 = vector.broadcast %parallel_loop3A_112 : i32 to vector<16xi32>
      %parallel_loop3A_114 = arith.addi %parallel_loop3A_111, %parallel_loop3A_113 : vector<16xi32>
      %parallel_loop3A_115 = arith.constant 1 : i32
      %parallel_loop3A_116 = vector.broadcast %parallel_loop3A_115 : i32 to vector<16xi32>
      %parallel_loop3A_117 = arith.select %parallel_loop3A_107, %parallel_loop3A_114, %parallel_loop3A_116 : vector<16xi1>, vector<16xi32>
      %parallel_loop3A_118 = arith.index_cast %parallel_loop3A_20 : i32 to index
      %parallel_loop3A_119 = arith.constant 64 : index
      %parallel_loop3A_120 = tpu.vector_load %arg6[%parallel_loop3A_118, %parallel_loop3A_119] {strides = array<i32>} : memref<128x100xi32, #tpu.memory_space<vmem>>, vector<16xi32>,
      tpu.vector_store %arg6[%parallel_loop3A_118, %parallel_loop3A_119], %parallel_loop3A_117 {strides = array<i32>} : memref<128x100xi32, #tpu.memory_space<vmem>>, vector<16xi32>,
      %parallel_loop3A_121 = arith.index_cast %parallel_loop3A_20 : i32 to index
      %parallel_loop3A_122 = arith.constant 80 : index
      %parallel_loop3A_123 = tpu.vector_load %arg6[%parallel_loop3A_121, %parallel_loop3A_122] {strides = array<i32>} : memref<128x100xi32, #tpu.memory_space<vmem>>, vector<16xi32>,
      %parallel_loop3A_124 = vector.bitcast %parallel_loop3A_123 : vector<16xi32> to vector<16xi32>
      %parallel_loop3A_125 = arith.constant 100000 : i32
      %parallel_loop3A_126 = vector.broadcast %parallel_loop3A_125 : i32 to vector<16xi32>
      %parallel_loop3A_127 = arith.cmpi ult, %parallel_loop3A_124, %parallel_loop3A_126 : vector<16xi32>
      %parallel_loop3A_128 = arith.constant 0 : i32
      %parallel_loop3A_129 = vector.broadcast %parallel_loop3A_128 : i32 to vector<16xi32>
      %parallel_loop3A_130 = arith.select %parallel_loop3A_127, %parallel_loop3A_123, %parallel_loop3A_129 : vector<16xi1>, vector<16xi32>
      %parallel_loop3A_131 = tpu.vector_load_idx %arg5[%parallel_loop3A_130] : memref<100000xi32, #tpu.memory_space<vmem>>[vector<16xi32>], vector<16xi32>,
      %parallel_loop3A_132 = arith.constant 1 : i32
      %parallel_loop3A_133 = vector.broadcast %parallel_loop3A_132 : i32 to vector<16xi32>
      %parallel_loop3A_134 = arith.addi %parallel_loop3A_131, %parallel_loop3A_133 : vector<16xi32>
      %parallel_loop3A_135 = arith.constant 1 : i32
      %parallel_loop3A_136 = vector.broadcast %parallel_loop3A_135 : i32 to vector<16xi32>
      %parallel_loop3A_137 = arith.select %parallel_loop3A_127, %parallel_loop3A_134, %parallel_loop3A_136 : vector<16xi1>, vector<16xi32>
      %parallel_loop3A_138 = arith.index_cast %parallel_loop3A_20 : i32 to index
      %parallel_loop3A_139 = arith.constant 80 : index
      %parallel_loop3A_140 = tpu.vector_load %arg6[%parallel_loop3A_138, %parallel_loop3A_139] {strides = array<i32>} : memref<128x100xi32, #tpu.memory_space<vmem>>, vector<16xi32>,
      tpu.vector_store %arg6[%parallel_loop3A_138, %parallel_loop3A_139], %parallel_loop3A_137 {strides = array<i32>} : memref<128x100xi32, #tpu.memory_space<vmem>>, vector<16xi32>,
    } {sc.loop_unroll_factor = 2 : i64, sc.parallel_access}
    %parallel_loop3A_17 = arith.constant 0 : i32
    %parallel_loop3A_18 = arith.constant 128 : i32
    %parallel_loop3A_19 = arith.constant 4 : i32
    scf.for %parallel_loop3A_20 = %parallel_loop3A_17 to %parallel_loop3A_18 step %parallel_loop3A_19  : i32 {
      %parallel_loop3A_21 = tpu.iota {dimensions = array<i32: 0>} : vector<16xi32>
      %parallel_loop3A_22 = arith.constant 4 : i32
      %parallel_loop3A_23 = vector.broadcast %parallel_loop3A_22 : i32 to vector<16xi32>
      %parallel_loop3A_24 = arith.divsi %parallel_loop3A_21, %parallel_loop3A_23 : vector<16xi32>
      %parallel_loop3A_25 = arith.constant 0 : i32
      %parallel_loop3A_26 = vector.broadcast %parallel_loop3A_25 : i32 to vector<16xi32>
      %parallel_loop3A_27 = arith.cmpi sgt, %parallel_loop3A_21, %parallel_loop3A_26 : vector<16xi32>
      %parallel_loop3A_28 = arith.extui %parallel_loop3A_27 : vector<16xi1> to vector<16xi32>
      %parallel_loop3A_29 = arith.constant 0 : i32
      %parallel_loop3A_30 = vector.broadcast %parallel_loop3A_29 : i32 to vector<16xi32>
      %parallel_loop3A_31 = arith.cmpi slt, %parallel_loop3A_21, %parallel_loop3A_30 : vector<16xi32>
      %parallel_loop3A_32 = arith.extui %parallel_loop3A_31 : vector<16xi1> to vector<16xi32>
      %parallel_loop3A_33 = arith.subi %parallel_loop3A_28, %parallel_loop3A_32 : vector<16xi32>
      %parallel_loop3A_34 = arith.constant 0 : i32
      %parallel_loop3A_35 = arith.cmpi sgt, %parallel_loop3A_22, %parallel_loop3A_34 : i32
      %parallel_loop3A_36 = arith.extui %parallel_loop3A_35 : i1 to i32
      %parallel_loop3A_37 = arith.constant 0 : i32
      %parallel_loop3A_38 = arith.cmpi slt, %parallel_loop3A_22, %parallel_loop3A_37 : i32
      %parallel_loop3A_39 = arith.extui %parallel_loop3A_38 : i1 to i32
      %parallel_loop3A_40 = arith.subi %parallel_loop3A_36, %parallel_loop3A_39 : i32
      %parallel_loop3A_41 = vector.broadcast %parallel_loop3A_40 : i32 to vector<16xi32>
      %parallel_loop3A_42 = arith.cmpi ne, %parallel_loop3A_33, %parallel_loop3A_41 : vector<16xi32>
      %parallel_loop3A_43 = vector.broadcast %parallel_loop3A_22 : i32 to vector<16xi32>
      %parallel_loop3A_44 = arith.remsi %parallel_loop3A_21, %parallel_loop3A_43 : vector<16xi32>
      %parallel_loop3A_45 = arith.constant 0 : i32
      %parallel_loop3A_46 = vector.broadcast %parallel_loop3A_45 : i32 to vector<16xi32>
      %parallel_loop3A_47 = arith.cmpi ne, %parallel_loop3A_44, %parallel_loop3A_46 : vector<16xi32>
      %parallel_loop3A_48 = arith.andi %parallel_loop3A_42, %parallel_loop3A_47 : vector<16xi1>
      %parallel_loop3A_49 = arith.constant 1 : i32
      %parallel_loop3A_50 = vector.broadcast %parallel_loop3A_49 : i32 to vector<16xi32>
      %parallel_loop3A_51 = arith.subi %parallel_loop3A_24, %parallel_loop3A_50 : vector<16xi32>
      %parallel_loop3A_52 = arith.select %parallel_loop3A_48, %parallel_loop3A_51, %parallel_loop3A_24 : vector<16xi1>, vector<16xi32>
      %parallel_loop3A_53 = vector.broadcast %parallel_loop3A_20 : i32 to vector<16xi32>
      %parallel_loop3A_54 = arith.addi %parallel_loop3A_53, %parallel_loop3A_52 : vector<16xi32>
      %parallel_loop3A_55 = arith.constant 4 : i32
      %parallel_loop3A_56 = arith.constant 0 : i32
      %parallel_loop3A_57 = arith.cmpi eq, %parallel_loop3A_55, %parallel_loop3A_56 : i32
      %parallel_loop3A_58 = arith.constant 1 : i32
      %parallel_loop3A_59 = arith.select %parallel_loop3A_57, %parallel_loop3A_58, %parallel_loop3A_55 : i32
      %parallel_loop3A_60 = vector.broadcast %parallel_loop3A_59 : i32 to vector<16xi32>
      %parallel_loop3A_61 = arith.remsi %parallel_loop3A_21, %parallel_loop3A_60 : vector<16xi32>
      %parallel_loop3A_62 = arith.constant 0 : i32
      %parallel_loop3A_63 = vector.broadcast %parallel_loop3A_62 : i32 to vector<16xi32>
      %parallel_loop3A_64 = arith.cmpi ne, %parallel_loop3A_61, %parallel_loop3A_63 : vector<16xi32>
      %parallel_loop3A_65 = arith.constant 0 : i32
      %parallel_loop3A_66 = vector.broadcast %parallel_loop3A_65 : i32 to vector<16xi32>
      %parallel_loop3A_67 = arith.cmpi slt, %parallel_loop3A_61, %parallel_loop3A_66 : vector<16xi32>
      %parallel_loop3A_68 = arith.constant 0 : i32
      %parallel_loop3A_69 = arith.cmpi slt, %parallel_loop3A_59, %parallel_loop3A_68 : i32
      %parallel_loop3A_70 = vector.broadcast %parallel_loop3A_69 : i1 to vector<16xi1>
      %parallel_loop3A_71 = vector.broadcast %parallel_loop3A_70 : vector<16xi1> to vector<16xi1>
      %parallel_loop3A_72 = arith.xori %parallel_loop3A_67, %parallel_loop3A_71 : vector<16xi1>
      %parallel_loop3A_73 = arith.andi %parallel_loop3A_72, %parallel_loop3A_64 : vector<16xi1>
      %parallel_loop3A_74 = vector.broadcast %parallel_loop3A_59 : i32 to vector<16xi32>
      %parallel_loop3A_75 = arith.addi %parallel_loop3A_61, %parallel_loop3A_74 : vector<16xi32>
      %parallel_loop3A_76 = arith.select %parallel_loop3A_73, %parallel_loop3A_75, %parallel_loop3A_61 : vector<16xi1>, vector<16xi32>
      %parallel_loop3A_77 = arith.constant 96 : i32
      %parallel_loop3A_78 = vector.broadcast %parallel_loop3A_77 : i32 to vector<16xi32>
      %parallel_loop3A_79 = arith.addi %parallel_loop3A_78, %parallel_loop3A_76 : vector<16xi32>
      %parallel_loop3A_80 = tpu.vector_load_idx %arg6[%parallel_loop3A_54, %parallel_loop3A_79] : memref<128x100xi32, #tpu.memory_space<vmem>>[vector<16xi32>, vector<16xi32>], vector<16xi32>,
      %parallel_loop3A_81 = vector.bitcast %parallel_loop3A_80 : vector<16xi32> to vector<16xi32>
      %parallel_loop3A_82 = arith.constant 100000 : i32
      %parallel_loop3A_83 = vector.broadcast %parallel_loop3A_82 : i32 to vector<16xi32>
      %parallel_loop3A_84 = arith.cmpi ult, %parallel_loop3A_81, %parallel_loop3A_83 : vector<16xi32>
      %parallel_loop3A_85 = arith.constant 0 : i32
      %parallel_loop3A_86 = vector.broadcast %parallel_loop3A_85 : i32 to vector<16xi32>
      %parallel_loop3A_87 = arith.select %parallel_loop3A_84, %parallel_loop3A_80, %parallel_loop3A_86 : vector<16xi1>, vector<16xi32>
      %parallel_loop3A_88 = tpu.vector_load_idx %arg5[%parallel_loop3A_87] : memref<100000xi32, #tpu.memory_space<vmem>>[vector<16xi32>], vector<16xi32>,
      %parallel_loop3A_89 = arith.constant 1 : i32
      %parallel_loop3A_90 = vector.broadcast %parallel_loop3A_89 : i32 to vector<16xi32>
      %parallel_loop3A_91 = arith.addi %parallel_loop3A_88, %parallel_loop3A_90 : vector<16xi32>
      %parallel_loop3A_92 = arith.constant 1 : i32
      %parallel_loop3A_93 = vector.broadcast %parallel_loop3A_92 : i32 to vector<16xi32>
      %parallel_loop3A_94 = arith.select %parallel_loop3A_84, %parallel_loop3A_91, %parallel_loop3A_93 : vector<16xi1>, vector<16xi32>
      tpu.vector_store_idx %arg6[%parallel_loop3A_54, %parallel_loop3A_79], %parallel_loop3A_94 : memref<128x100xi32, #tpu.memory_space<vmem>>[vector<16xi32>, vector<16xi32>], vector<16xi32>,
    } {sc.loop_unroll_factor = 2 : i64, sc.parallel_access}
    "tpu.region"() ({
      %run_scoped3A = tpu.sem_alloc : memref<!tpu.dma_semaphore, #tpu.memory_space<semaphore_mem>>
      %dma_start3A_20 = arith.constant 0 : i32
      %dma_start3A_21 = tpu.memref_slice %arg4[%mul3A_2, %dma_start3A_20] : memref<4096x100xi32, #tpu.memory_space<hbm>> -> memref<128x100xi32, #tpu.memory_space<hbm>>
      %dma_start3A_22 = arith.constant 0 : i32
      %dma_start3A_23 = tpu.memref_slice %arg4[%mul3A_2, %dma_start3A_22] : memref<4096x100xi32, #tpu.memory_space<hbm>> -> memref<128x100xi32, #tpu.memory_space<hbm>>
      tpu.enqueue_dma source(%arg6 : memref<128x100xi32, #tpu.memory_space<vmem>>) target(%dma_start3A_23 : memref<128x100xi32, #tpu.memory_space<hbm>>) target_semaphore(%run_scoped3A : memref<!tpu.dma_semaphore, #tpu.memory_space<semaphore_mem>>)
      %dma_wait3A_24 = arith.constant 0 : i32
      %dma_wait3A_25 = tpu.memref_slice %arg4[%mul3A_2, %dma_wait3A_24] : memref<4096x100xi32, #tpu.memory_space<hbm>> -> memref<128x100xi32, #tpu.memory_space<hbm>>
      %dma_wait3A_26 = arith.constant 0 : i32
      %dma_wait3A_27 = tpu.memref_slice %arg4[%mul3A_2, %dma_wait3A_26] : memref<4096x100xi32, #tpu.memory_space<hbm>> -> memref<128x100xi32, #tpu.memory_space<hbm>>
      tpu.wait_dma2 semaphore(%run_scoped3A : memref<!tpu.dma_semaphore, #tpu.memory_space<semaphore_mem>>) src(%arg6 : memref<128x100xi32, #tpu.memory_space<vmem>>) dst(%dma_wait3A_27 : memref<128x100xi32, #tpu.memory_space<hbm>>)
      tpu.yield
    }) : () -> ()
    return
  }
}

</mosaic_0001>

<sc_bundles>
// kernel: kernel.3.cloned.1.call-start
scs
__scs_entry_jumppad:
0x0: {  	(pc) =	sbr.rel $0x88, $3  }
0x1: {  	(tag) =	ssettag $0x0;
	lr =	simm.s32 $0x1  }
0x2: {  	[smem:$0x3F9F] =	sst lr;
	_ =	strace $0xD0000000  }
0x3: {  	_ = 	snop  }
0x4: {  	_ = 	snop  }
0x5: {  	_ = 	snop  }
0x6: {  	_ = 	snop  }
0x7: {  	_ = 	snop  }
__scs_overlays_trampoline_lowered:
0x8: {  	[smem:$0x3FAE] =	sst s0  }
0x9: {  	[smem:$0x3FAF] =	sst s1  }
0xa: {  	[smem:$0x3FB0] =	sst s2  }
0xb: {  	[smem:$0x3FB1] =	sst s3  }
0xc: {  	[smem:$0x3FB2] =	sst s4  }
0xd: {  	[smem:$0x3FB3] =	sst s5  }
0xe: {  	[smem:$0x3FB4] =	sst s6  }
0xf: {  	[smem:$0x3FB5] =	sst s7  }
0x10: {  	[smem:$0x3FB6] =	sst s8  }
0x11: {  	[smem:$0x3FB7] =	sst s9;
	s0 =	simm.s32 @!p0 $0x0  }
0x12: {  	s1 =	sld [smem:$0x3F9D];
	s0 =	simm.s32 @p0 $0x1  }
0x13: {  	[smem:$0x3FB8] =	sst s0;
	s0 =	simm.s32 @!p1 $0x0  }
0x14: {  	s2 =	sld [smem:$0x3F9C];
	s0 =	simm.s32 @p1 $0x1  }
0x15: {  	[smem:$0x3FB9] =	sst s0;
	s0 =	simm.s32 @!p2 $0x0  }
0x16: {  	s3 =	sld [smem:$0x3FDB];
	s0 =	simm.s32 @p2 $0x1  }
0x17: {  	s4 =	simm.s32 $0x1BF5;
	[smem:$0x3FBB] =	sst s0  }
0x18: {  	s0 =	sld [smem:$0x3F9E];
	_ =	swait.ge [sflag:s4], $0x0  }
0x19: {  	s7 =	sld [smem:$0x3F9F]  }
0x1a: {  	s8 =	sadd.s32 $0xFFFFE003, lr  }
0x1b: {  	s9 =	sadd.s32 $0xFFFFFEF7, lr;
	s5 =	simm.s32 $0xFFFFFFFF;
	p2 =	slt.u32 s8, $0xFFFFF086  }
0x1c: {  	p1 =	slt.u32 s9, $0xF7A;
	s5 =	simm.s32 @!p2 $0x0  }
0x1d: {  	s5 =	simm.s32 @p1 $0x1;
	p0 =	seq.s32 s7, s2  }
0x1e: {  	s7 =	smul.u32 @!p0 $0xF7A, s2;
	p2 =	seq.s32 @!p0 s5, $0x0  }
0x1f: {  	s9 =	smul.u32 $0xF7A, s1;
	s8 =	simm.s32 @!p0 $0x1BF5;
	p2 =	por !p2, p0  }
0x20: {  	[sflag:s8] =	ssyncset.s32 @!p0 $0xFFFFF086;
	s6 =	sadd.s32 @!p0 s3, s7;
	s7 =	simm.s32 @!p0 $0x108  }
0x21: {  	s3 =	sadd.s32 s3, s9;
	s6 =	sadd.s32 @!p0 $0x88, s6;
	s7 =	simm.s32 @p2 $0x1082  }
0x22: {  	[simem:s7], [sflag:s8] =	dma.local @!p0 [hbm:s6], $0xF7A  }
0x23: {  	s9 =	sor.u32 $0xD0000000, s2;
	s6 =	simm.s32 $0x108;
	_ =	swait.ge @!p0 [sflag:s8], $0x0  }
0x24: {  	s3 =	sadd.s32 $0x88, s3;
	s6 =	simm.s32 @!p1 $0x1082;
	[sflag:s4] =	ssyncset.s32 $0xFFFFF086  }
0x25: {  	[simem:s6], [sflag:s4] =	dma.local [hbm:s3], $0xF7A  }
0x26: {  	[smem:$0x3F9F] =	sst s1;
	(tag) =	ssettag s2;
	_ =	strace s9  }
0x27: {  	s1 =	sld [smem:$0x3FAF]  }
0x28: {  	s2 =	sld [smem:$0x3FB0]  }
0x29: {  	s4 =	sld [smem:$0x3FB2]  }
0x2a: {  	p0 =	seq.s32 s5, $0x0;
	s5 =	sld [smem:$0x3FB3]  }
0x2b: {  	s6 =	sld [smem:$0x3FB4]  }
0x2c: {  	s7 =	sld [smem:$0x3FB5]  }
0x2d: {  	s3 =	simm.s32 $0x108;
	s8 =	sld [smem:$0x3FB6]  }
0x2e: {  	s3 =	simm.s32 @!p0 $0x1082;
	s9 =	sld [smem:$0x3FB7]  }
0x2f: {  	lr =	sadd.s32 s0, s3;
	s0 =	sld [smem:$0x3FAE]  }
0x30: {  	s3 =	sld [smem:$0x3FB1]  }
0x31: {  	[smem:$0x3FBA] =	sst s10  }
0x32: {  	s10 =	sld [smem:$0x3FB8];
	_ =	sdelay $0x3  }
0x33: {  	p0 =	seq.s32 s10, $0x1;
	s10 =	sld [smem:$0x3FBA];
	_ =	sdelay $0x3  }
0x34: {  	[smem:$0x3FBA] =	sst s10  }
0x35: {  	s10 =	sld [smem:$0x3FB9];
	_ =	sdelay $0x3  }
0x36: {  	p1 =	seq.s32 s10, $0x1;
	s10 =	sld [smem:$0x3FBA];
	_ =	sdelay $0x3  }
0x37: {  	[smem:$0x3FBA] =	sst s10  }
0x38: {  	s10 =	sld [smem:$0x3FBB]  }
0x39: {  	_ = 	snop;
	(pc) =	sbr.ind lr, $3  }
0x3a: {  	_ = 	snop  }
0x3b: {  	_ = 	snop  }
0x3c: {  	p2 =	seq.s32 s10, $0x1;
	s10 =	sld [smem:$0x3FBA]  }
0x3d: {  	_ =	shalt  }
0x3e: {  	_ =	shalt  }
0x3f: {  	_ =	shalt  }
0x40: {  	_ =	shalt  }
0x41: {  	_ =	shalt  }
0x42: {  	_ =	shalt  }
0x43: {  	_ =	shalt  }
0x44: {  	_ =	shalt  }
0x45: {  	_ =	shalt  }
0x46: {  	_ =	shalt  }
0x47: {  	_ =	shalt  }
0x48: {  	_ =	shalt  }
0x49: {  	_ =	shalt  }
0x4a: {  	_ =	shalt  }
0x4b: {  	_ =	shalt  }
0x4c: {  	_ =	shalt  }
0x4d: {  	_ =	shalt  }
0x4e: {  	_ =	shalt  }
0x4f: {  	_ =	shalt  }
0x50: {  	_ =	shalt  }
0x51: {  	_ =	shalt  }
0x52: {  	_ =	shalt  }
0x53: {  	_ =	shalt  }
0x54: {  	_ =	shalt  }
0x55: {  	_ =	shalt  }
0x56: {  	_ =	shalt  }
0x57: {  	_ =	shalt  }
0x58: {  	_ =	shalt  }
0x59: {  	_ =	shalt  }
0x5a: {  	_ =	shalt  }
0x5b: {  	_ =	shalt  }
0x5c: {  	_ =	shalt  }
0x5d: {  	_ =	shalt  }
0x5e: {  	_ =	shalt  }
0x5f: {  	_ =	shalt  }
0x60: {  	_ =	shalt  }
0x61: {  	_ =	shalt  }
0x62: {  	_ =	shalt  }
0x63: {  	_ =	shalt  }
0x64: {  	_ =	shalt  }
0x65: {  	_ =	shalt  }
0x66: {  	_ =	shalt  }
0x67: {  	_ =	shalt  }
0x68: {  	_ =	shalt  }
0x69: {  	_ =	shalt  }
0x6a: {  	_ =	shalt  }
0x6b: {  	_ =	shalt  }
0x6c: {  	_ =	shalt  }
0x6d: {  	_ =	shalt  }
0x6e: {  	_ =	shalt  }
0x6f: {  	_ =	shalt  }
0x70: {  	_ =	shalt  }
0x71: {  	_ =	shalt  }
0x72: {  	_ =	shalt  }
0x73: {  	_ =	shalt  }
0x74: {  	_ =	shalt  }
0x75: {  	_ =	shalt  }
0x76: {  	_ =	shalt  }
0x77: {  	_ =	shalt  }
0x78: {  	_ =	shalt  }
0x79: {  	_ =	shalt  }
0x7a: {  	_ =	shalt  }
0x7b: {  	_ =	shalt  }
0x7c: {  	_ =	shalt  }
0x7d: {  	_ =	shalt  }
0x7e: {  	_ =	shalt  }
0x7f: {  	_ =	shalt  }
0x80: {  	_ =	shalt  }
0x81: {  	_ =	shalt  }
0x82: {  	_ =	shalt  }
0x83: {  	_ =	shalt  }
0x84: {  	_ =	shalt  }
0x85: {  	_ =	shalt  }
0x86: {  	_ =	shalt  }
0x87: {  	_ =	shalt  }
.Lfunc_end0:
.L_simem_size_0:
called_computation_lowered:
.L_overlay_start_0:
0x88: {  	s2 =	sld [smem:$0x3FD9]  }
0x89: {  	s3 =	sld [smem:$0x3FFE];
	_ =	sdelay $0x1  }
0x8a: {  	s1 =	srdreg.scid  }
0x8b: {  	s0 =	sand.u32 $0x1, s1  }
0x8c: {  	s17 =	sshll.u32 s0, $0xA;
	s2 =	sadd.s32 s3, s2  }
0x8d: {  	s2 =	sadd.s32 s2, s17  }
0x8e: {  	[smem:$0x3FC6] =	sst s2  }
0x8f: {  	_ = 	snop  }
0x90: {  	s2 =	sld [smem:$0x3FC8];
	(tm) =	ssettm $0x1  }
0x91: {  	s18 =	sld [smem:$0x3FFB];
	_ =	sdelay $0x3  }
0x92: {  	_ =	strace s18  }
0x93: {  	s3 =	sld [smem:$0x3FFC];
	_ =	sdelay $0x3  }
0x94: {  	_ =	strace s3  }
0x95: {  	s3 =	sld [smem:$0x3FFD];
	_ =	sdelay $0x3  }
0x96: {  	_ =	strace s3  }
0x97: {  	_ =	strace $0x8FFFFFFF  }
0x98: {  	s19 =	sld [smem:$0x3FDB];
	_ =	sdelay $0x1  }
0x99: {  	s4 =	simm.s32 $_scs_section_size  }
0x9a: {  	s5 =	simm.s32 $_size__tile_overlayer_lowered;
	s6 =	simm.s32 $_tile_overlayer_lowered  }
0x9b: {  	s22 =	simm.s32 $0x1BFF;
	s21 =	sshll.u32 s6, $0x1;
	s3 =	sadd.s32 s4, s19  }
0x9c: {  	s7 =	simm.s32 $0x0;
	s20 =	sshll.u32 s5, $0x1;
	s5 =	sadd.s32 s21, s3  }
0x9d: {  	[timem:s7], [sflag:s22] =	dma.local [hbm:s5], s20  }
0x9e: {  	_ =	swait.ge [sflag:s22], s20  }
0x9f: {  	s4 =	ssub.s32 $0x0, s20;
	[sflag:s22] =	ssyncset.done $0x0  }
0xa0: {  	[sflag:s22] =	ssyncadd.s32 s4;
	_ =	sdelay $0x1  }
0xa1: {  	s23 =	simm.s32 $0x1B8B  }
0xa2: {  	_ =	swait.ge [sflag:s23], $0x1  }
0xa3: {  	[sflag:s23] =	ssyncset.done $0x0  }
0xa4: {  	s25 =	simm.s32 $0x1B8E;
	s24 =	sld [smem:$0x3FFE];
	[sflag:s23] =	ssyncadd.s32 $0xFFFFFFFF  }
0xa5: {  	s26 =	simm.s32 $execute0_lowered;
	[smem:$0x3FD2] =	sst s25  }
0xa6: {  	s5 =	sshll.u32 s26, $0x1;
	_ =	strace $0x80000046;
	[dreg:$0x1] =	wrdreg $0xFFFFFFFF  }
0xa7: {  	s28 =	simm.s32 $_size_execute0_lowered;
	s3 =	sadd.s32 s3, s5;
	[dreg:$0x0] =	wrdreg $0x0  }
0xa8: {  	s5 =	sshll.u32 s28, $0x1;
	[dreg:$0x2] =	wrdreg s3  }
0xa9: {  	[dreg:$0x3] =	wrdreg s5  }
0xaa: {  	[dreg:$0x4] =	wrdreg $0xC0  }
0xab: {  	_ =	task [dreg:s7], $0x5FFFF  }
0xac: {  	[dreg:$0x1] =	wrdreg $0xFFFFFFFF  }
0xad: {  	[dreg:$0x0] =	wrdreg $0x60  }
0xae: {  	[dreg:$0x2] =	wrdreg s24  }
0xaf: {  	[dreg:$0x3] =	wrdreg s2  }
0xb0: {  	[dreg:$0x4] =	wrdreg $0x1C7000  }
0xb1: {  	[dreg:$0x5] =	wrdreg $0x9  }
0xb2: {  	_ =	task.clear_ibuf [dreg:s7], $0x6FFFF;
	_ =	strace $0x90000046  }
0xb3: {  	s29 =	simm.s32 $0x9;
	_ =	strace $0x80000048  }
0xb4: {  	_ =	swait.ge [sflag:s29], $0x1  }
0xb5: {  	[sflag:s29] =	ssyncadd.s32 $0xFFFFFFFF  }
0xb6: {  	_ =	strace $0x90000048  }
0xb7: {  	_ =	sfence  }
0xb8: {  	s30 =	sld [smem:$0x0];
	_ =	sdelay $0x2  }
0xb9: {  	s31 =	sshll.u32 s1, $0xD;
	s1 =	sshrl.u32 s1, $0x2  }
0xba: {  	s3 =	sand.u32 $0x4000, s31;
	s1 =	sadd.s32 s1, s30  }
0xbb: {  	s0 =	sor.u32 s3, s0;
	s1 =	sshll.u32 s1, $0x11  }
0xbc: {  	s0 =	sor.u32 s1, s0  }
0xbd: {  	s0 =	sadd.s32 $0x8F2B, s0  }
0xbe: {  	[sflag:s0] =	ssyncadd.remote.s32 $0x1  }
0xbf: {  	_ =	sfence.sel $0xFFFF  }
0xc0: {  	[dreg:$0x0] =	wrdreg $0xFFFFFFFF;
	(pc) =	sbr.abs _section_cstart, $3  }
0xc1: {  	[dreg:$0x1] =	wrdreg $0xFFFFFFFF  }
0xc2: {  	_ =	task.clear_ibuf [dreg:s7], $0x2FFFF;
	_ =	strace $0x9FFFFFFF  }
0xc3: {  	(tm) =	ssettm $0x7FFFFFFF  }
tec
execute0_lowered:
.L_overlay_start_1:
0x0: {  	(tag) =	ssettag $0x1  }
0x1: {  	s5 =	rddreg [dreg:$0x0]  }
0x2: {  	s8 =	rddreg [dreg:$0x1]  }
0x3: {  	s2 =	rddreg [dreg:$0x2]  }
0x4: {  	s0 =	rddreg [dreg:$0x3];
	s4 =	srdreg.scid;
	s3 =	simm.s32 $0x0  }
0x5: {  	s1 =	stileid.u32;
	s12 =	simm.s32 $0x18700;
	s13 =	simm.s32 $0x2  }
0x6: {  	s14 =	simm.s32 $0x1;
	s15 =	simm.s32 $0x4;
	s16 =	simm.s32 $0x0  }
0x7: {  	s24 =	simm.s32 $0x0;
	s4 =	sand.u32 $0x1, s4;
	[smem:$0x7FF] =	sst s3  }
0x8: {  	s6 =	sshll.u32 s1, $0xC;
	s9 =	sadd.s32 $0x16E90, s2;
	p0 =	seq.s32 s1, $0xF  }
0x9: {  	s7 =	sshll.u32 s4, $0xB;
	s29 =	ssub.s32 $0x2, s4;
	s4 =	smul.u32 $0x1870, s1  }
0xa: {  	_ =	strace $0x80000047;
	s6 =	sor.u32 s7, s6;
	s30 =	sshrl.u32 s29, $0x1  }
0xb: {  	v0 =	vlaneseq.u32;
	s10 =	sadd.s32 s6, s5;
	s11 =	ssub.s32 s29, s30;
	s31 =	sshrl.u32 s4, $0x3  }
0xc: {  	v1 =	vshrl.u32 v0, $0x2;
	v2 =	vand.u32 $0x3, v0;
	s7 =	sadd.s32 s4, s2;
	s5 =	sadd.s32 $0x400, s10;
	s6 =	sadd.s32 s8, s31  }
0xd: {  	v0 =	vmul.u32 $0x80, v1;
	v1 =	vor.u32 $0x60, v2;
	s8 =	sadd.s32 $0x2DD2, s8;
	s10 =	sadd.s32 $0x10400, s10;
	s11 =	smax.u32 s11, $0x1  }
.LBB2_1:
0xe: {  	[tilespmem:s12], [sflag:$0x2] =	stream.linear.gather [hbm4b:s5+s3], $0x4000, $0x38;
	[tilespmem:$0x1DF70] =	vst v63  }
0xf: {  	s17 =	simm.s32 @p0 $0x0;
	s18 =	simm.s32 @p0 $0x16E90  }
0x10: {  	[tilespmem:s18], [sflag:$0x3] =	stream.linear.gather @p0 [hbm4b:s8+s17], $0x1810, $0x38;
	[tilespmem:$0x1DF70] =	vst v63  }
0x11: {  	s17 =	simm.s32 @p0 $0x3  }
0x12: {  	_ =	swait.ge @p0 [sflag:s17], $0x1810  }
0x13: {  	[sflag:s17] =	ssyncset.done @p0 $0x0  }
0x14: {  	[sflag:s17] =	ssyncadd.s32 @p0 $0xFFFFE7F0  }
0x15: {  	[spmem:s9] =	stream.linear.scatter @p0 [tilespmem:s18], [sflag:$0x3], $0x1810, $0x38;
	[tilespmem:$0x1DF70] =	vst v63  }
0x16: {  	_ =	swait.ge @p0 [sflag:s17], $0x1810  }
0x17: {  	[sflag:s17] =	ssyncset.done @p0 $0x0  }
0x18: {  	[sflag:s17] =	ssyncadd.s32 @p0 $0xFFFFE7F0;
	s17 =	simm.s32 @!p0 $0x0  }
0x19: {  	[tilespmem:s4], [sflag:$0x3] =	stream.linear.gather @!p0 [hbm4b:s6+s17], $0x1870, $0x38;
	[tilespmem:$0x1DF70] =	vst v63  }
0x1a: {  	s17 =	simm.s32 @!p0 $0x3  }
0x1b: {  	_ =	swait.ge @!p0 [sflag:s17], $0x1870  }
0x1c: {  	[sflag:s17] =	ssyncset.done @!p0 $0x0  }
0x1d: {  	[sflag:s17] =	ssyncadd.s32 @!p0 $0xFFFFE790  }
0x1e: {  	[spmem:s7] =	stream.linear.scatter @!p0 [tilespmem:s4], [sflag:$0x3], $0x1870, $0x38;
	[tilespmem:$0x1DF70] =	vst v63  }
0x1f: {  	_ =	swait.ge @!p0 [sflag:s17], $0x1870  }
0x20: {  	[sflag:s17] =	ssyncset.done @!p0 $0x0  }
0x21: {  	[sflag:s17] =	ssyncadd.s32 @!p0 $0xFFFFE790  }
0x22: {  	[bflag:$0x0] =	sbarrier.arrive $0xFFFF  }
0x23: {  	[tilespmem:s3], [sflag:$0x1] =	stream.linear.gather [spmem:s2], $0x18700, $0x38;
	[tilespmem:$0x1DF70] =	vst v63  }
0x24: {  	_ =	swait.ge [sflag:s13], $0x4000  }
0x25: {  	[sflag:s13] =	ssyncset.done $0x0  }
0x26: {  	[sflag:s13] =	ssyncadd.s32 $0xFFFFC000  }
0x27: {  	_ =	swait.ge [sflag:s14], $0x18700  }
0x28: {  	[sflag:s14] =	ssyncset.done $0x0  }
0x29: {  	s17 =	simm.s32 $0x18780;
	[sflag:s14] =	ssyncadd.s32 $0xFFFE7900  }
0x2a: {  	v2 =	vld [tilespmem:s17+$0x0]  }
0x2b: {  	v3 =	vld [tilespmem:s17+$0xFFFFFF80];
	_ =	sdelay $0x3  }
0x2c: {  	vm0 =	vlt.u32 v2, $0x186A0  }
0x2d: {  	vm1 =	vlt.u32 v3, $0x186A0;
	v2 =	vnsel vm0, $0x0, v2  }
0x2e: {  	v3 =	vnsel vm1, $0x0, v3  }
0x2f: {  	v4 =	vld [tilespmem:s17+$0x10]  }
0x30: {  	v5 =	vld [tilespmem:s17+$0xFFFFFF90];
	_ =	sdelay $0x1  }
0x31: {  	v2 =	vld.idx.msk [tilespmem:v2+s3+$0x0], $0xffff  }
0x32: {  	v3 =	vld.idx.msk [tilespmem:v3+s3+$0x0], $0xffff  }
0x33: {  	vm2 =	vlt.u32 v4, $0x186A0  }
0x34: {  	v6 =	vld [tilespmem:s17+$0xFFFFFFA0];
	vm3 =	vlt.u32 v5, $0x186A0;
	v4 =	vnsel vm2, $0x0, v4  }
0x35: {  	v7 =	vld [tilespmem:s17+$0xFFFFFFB0];
	v5 =	vnsel vm3, $0x0, v5  }
0x36: {  	v8 =	vld [tilespmem:s17+$0x20];
	v2 =	vadd.s32 $0x1, v2  }
0x37: {  	v9 =	vld [tilespmem:s17+$0xFFFFFFC0];
	v3 =	vadd.s32 $0x1, v3;
	v10 =	vnsel vm0, $0x1, v2  }
0x38: {  	v11 =	vld [tilespmem:s17+$0x30];
	v3 =	vnsel vm1, $0x1, v3;
	[tilespmem:s17+$0x0] =	vst v10  }
0x39: {  	[tilespmem:s17+$0xFFFFFF80] =	vst v3;
	v4 =	vld.idx.msk [tilespmem:v4+s3+$0x0], $0xffff  }
0x3a: {  	s18 =	simm.s32 $0x18880;
	v3 =	vld.idx.msk [tilespmem:v5+s3+$0x0], $0xffff  }
0x3b: {  	vm4 =	vlt.u32 v8, $0x186A0;
	v5 =	vld [tilespmem:s18+$0x0]  }
0x3c: {  	vm5 =	vlt.u32 v6, $0x186A0;
	v8 =	vnsel vm4, $0x0, v8;
	v10 =	vld [tilespmem:s18+$0xFFFFFF80]  }
0x3d: {  	v12 =	vld [tilespmem:s18+$0xFFFFFF90];
	v6 =	vnsel vm5, $0x0, v6  }
0x3e: {  	v13 =	vld [tilespmem:s18+$0xFFFFFFB0];
	v4 =	vadd.s32 $0x1, v4  }
0x3f: {  	v14 =	vld [tilespmem:s17+$0x40];
	v3 =	vadd.s32 $0x1, v3;
	v4 =	vnsel vm2, $0x1, v4  }
0x40: {  	v15 =	vld [tilespmem:s18+$0xFFFFFFC0];
	vm6 =	vlt.u32 v5, $0x186A0;
	v3 =	vnsel vm3, $0x1, v3;
	[tilespmem:s17+$0x10] =	vst v4  }
0x41: {  	vm0 =	vlt.u32 v10, $0x186A0;
	v5 =	vnsel vm6, $0x0, v5;
	[tilespmem:s17+$0xFFFFFF90] =	vst v3;
	v4 =	vld.idx.msk [tilespmem:v8+s3+$0x0], $0xffff  }
0x42: {  	v3 =	vld.idx.msk [tilespmem:v6+s3+$0x0], $0xffff;
	v6 =	vnsel vm0, $0x0, v10  }
0x43: {  	s19 =	simm.s32 $0x18980;
	vm3 =	vlt.u32 v11, $0x186A0;
	v8 =	vld [tilespmem:s18+$0x10]  }
0x44: {  	v16 =	vld [tilespmem:s19+$0xFFFFFF90];
	v11 =	vnsel vm3, $0x0, v11  }
0x45: {  	v17 =	vld [tilespmem:s18+$0x30]  }
0x46: {  	v5 =	vld.idx.msk [tilespmem:v5+s3+$0x0], $0xffff;
	v4 =	vadd.s32 $0x1, v4  }
0x47: {  	v6 =	vld.idx.msk [tilespmem:v6+s3+$0x0], $0xffff;
	v4 =	vnsel vm4, $0x1, v4  }
0x48: {  	v18 =	vld [tilespmem:s19+$0xFFFFFFA0];
	vm2 =	vmmov vm5;
	v3 =	vadd.s32 $0x1, v3;
	vm5 =	vlt.u32 v8, $0x186A0;
	[tilespmem:s17+$0x20] =	vst v4  }
0x49: {  	v3 =	vnsel vm2, $0x1, v3;
	vm4 =	vlt.u32 v12, $0x186A0;
	v4 =	vnsel vm5, $0x0, v8;
	v8 =	vld.idx.msk [tilespmem:v11+s3+$0x0], $0xffff  }
0x4a: {  	v19 =	vld [tilespmem:s19+$0xFFFFFFC0];
	[tilespmem:s17+$0xFFFFFFA0] =	vst v3;
	v3 =	vnsel vm4, $0x0, v12  }
0x4b: {  	s20 =	simm.s32 $0x18A80;
	vm2 =	vlt.u32 v14, $0x186A0;
	v5 =	vadd.s32 $0x1, v5;
	v11 =	vld [tilespmem:s18+$0x20]  }
0x4c: {  	v59 =	vld [tilespmem:s20+$0xFFFFFF90];
	v14 =	vnsel vm2, $0x0, v14;
	v5 =	vnsel vm6, $0x1, v5;
	v6 =	vadd.s32 $0x1, v6  }
0x4d: {  	v10 =	vld [tilespmem:s18+$0xFFFFFFA0];
	[tilespmem:s18+$0x0] =	vst v5;
	v5 =	vnsel vm0, $0x1, v6  }
0x4e: {  	v4 =	vld.idx.msk [tilespmem:v4+s3+$0x0], $0xffff;
	[tilespmem:s18+$0xFFFFFF80] =	vst v5;
	v6 =	vadd.s32 $0x1, v8  }
0x4f: {  	vm1 =	vlt.u32 v7, $0x186A0;
	v3 =	vld.idx.msk [tilespmem:v3+s3+$0x0], $0xffff;
	v6 =	vnsel vm3, $0x1, v6  }
0x50: {  	v7 =	vnsel vm1, $0x0, v7;
	vm3 =	vlt.u32 v11, $0x186A0;
	[tilespmem:s17+$0x30] =	vst v6;
	v6 =	vld [tilespmem:s19+$0x0]  }
0x51: {  	v11 =	vnsel vm3, $0x0, v11;
	v8 =	vld.idx.msk [tilespmem:v14+s3+$0x0], $0xffff  }
0x52: {  	vm8 =	vlt.u32 v10, $0x186A0;
	v14 =	vld [tilespmem:s19+$0xFFFFFF80]  }
0x53: {  	v20 =	vld [tilespmem:s19+$0x30];
	v10 =	vnsel vm8, $0x0, v10;
	v4 =	vadd.s32 $0x1, v4  }
0x54: {  	v2 =	vld [tilespmem:s17+$0xFFFFFFD0];
	v4 =	vnsel vm5, $0x1, v4  }
0x55: {  	v7 =	vld.idx.msk [tilespmem:v7+s3+$0x0], $0xffff;
	v3 =	vadd.s32 $0x1, v3;
	[tilespmem:s18+$0x10] =	vst v4  }
0x56: {  	v3 =	vnsel vm4, $0x1, v3;
	vm6 =	vlt.u32 v6, $0x186A0;
	v4 =	vld.idx.msk [tilespmem:v11+s3+$0x0], $0xffff  }
0x57: {  	v5 =	vld [tilespmem:s17+$0x50];
	[tilespmem:s18+$0xFFFFFF90] =	vst v3;
	v6 =	vnsel vm6, $0x0, v6;
	v8 =	vadd.s32 $0x1, v8;
	vm5 =	vlt.u32 v14, $0x186A0  }
0x58: {  	vm4 =	vlt.u32 v17, $0x186A0;
	v3 =	vnsel vm2, $0x1, v8;
	v8 =	vld.idx.msk [tilespmem:v10+s3+$0x0], $0xffff;
	v10 =	vnsel vm5, $0x0, v14  }
0x59: {  	vm7 =	vlt.u32 v9, $0x186A0;
	v12 =	vld [tilespmem:s18+$0xFFFFFFD0];
	v14 =	vnsel vm4, $0x0, v17  }
0x5a: {  	v9 =	vnsel vm7, $0x0, v9;
	[tilespmem:s17+$0x40] =	vst v3;
	v3 =	vld [tilespmem:s19+$0x10]  }
0x5b: {  	vm1 =	vmmov vm1;
	vm2 =	vlt.u32 v13, $0x186A0;
	v17 =	vld [tilespmem:s18+$0x40];
	v4 =	vadd.s32 $0x1, v4  }
0x5c: {  	v7 =	vadd.s32 $0x1, v7;
	v13 =	vnsel vm2, $0x0, v13;
	v6 =	vld.idx.msk [tilespmem:v6+s3+$0x0], $0xffff;
	v4 =	vnsel vm3, $0x1, v4  }
0x5d: {  	v7 =	vnsel vm1, $0x1, v7;
	vm0 =	vlt.u32 v5, $0x186A0;
	v10 =	vld.idx.msk [tilespmem:v10+s3+$0x0], $0xffff;
	[tilespmem:s18+$0x20] =	vst v4  }
0x5e: {  	vm9 =	vmmov vm8;
	[tilespmem:s17+$0xFFFFFFB0] =	vst v7;
	v5 =	vnsel vm0, $0x0, v5;
	v8 =	vadd.s32 $0x1, v8;
	v7 =	vld.idx.msk [tilespmem:v14+s3+$0x0], $0xffff  }
0x5f: {  	vm12 =	vlt.u32 v18, $0x186A0;
	v11 =	vld [tilespmem:s19+$0xFFFFFFB0];
	vm8 =	vlt.u32 v3, $0x186A0;
	v4 =	vnsel vm9, $0x1, v8  }
0x60: {  	vm3 =	vlt.u32 v16, $0x186A0;
	vm1 =	vlt.u32 v17, $0x186A0;
	v8 =	vld.idx.msk [tilespmem:v9+s3+$0x0], $0xffff;
	v3 =	vnsel vm8, $0x0, v3;
	[tilespmem:s18+$0xFFFFFFA0] =	vst v4  }
0x61: {  	v14 =	vnsel vm1, $0x0, v17;
	v4 =	vnsel vm3, $0x0, v16;
	v9 =	vld.idx.msk [tilespmem:v13+s3+$0x0], $0xffff;
	v6 =	vadd.s32 $0x1, v6  }
0x62: {  	v13 =	vld [tilespmem:s19+$0x20];
	v6 =	vnsel vm6, $0x1, v6;
	vm6 =	vlt.u32 v2, $0x186A0;
	v10 =	vadd.s32 $0x1, v10  }
0x63: {  	v5 =	vld.idx.msk [tilespmem:v5+s3+$0x0], $0xffff;
	[tilespmem:s19+$0x0] =	vst v6;
	v17 =	vnsel vm6, $0x0, v2;
	v2 =	vnsel vm5, $0x1, v10;
	v6 =	vadd.s32 $0x1, v7  }
0x64: {  	vm14 =	vmmov vm12;
	[tilespmem:s19+$0xFFFFFF80] =	vst v2;
	v2 =	vnsel vm4, $0x1, v6;
	v6 =	vld [tilespmem:s18+$0x50]  }
0x65: {  	vm13 =	vlt.u32 v11, $0x186A0;
	vm9 =	vlt.u32 v15, $0x186A0;
	vm5 =	vmmov vm7;
	v3 =	vld.idx.msk [tilespmem:v3+s3+$0x0], $0xffff  }
0x66: {  	v7 =	vnsel vm9, $0x0, v15;
	vm7 =	vmmov vm2;
	v15 =	vnsel vm12, $0x0, v18;
	v4 =	vld.idx.msk [tilespmem:v4+s3+$0x0], $0xffff;
	[tilespmem:s18+$0x30] =	vst v2  }
0x67: {  	vm4 =	vmmov vm6;
	vm6 =	vlt.u32 v12, $0x186A0;
	vm2 =	vlt.u32 v13, $0x186A0;
	v10 =	vld.idx.msk [tilespmem:v14+s3+$0x0], $0xffff  }
0x68: {  	vm11 =	vmmov vm5;
	v2 =	vnsel vm6, $0x0, v12;
	v12 =	vld [tilespmem:s20+$0x0];
	v13 =	vnsel vm2, $0x0, v13  }
0x69: {  	v16 =	vld [tilespmem:s19+$0xFFFFFFD0];
	vm5 =	vmmov vm6;
	v9 =	vadd.s32 $0x1, v9;
	vm6 =	vlt.u32 v6, $0x186A0  }
0x6a: {  	v14 =	vld [tilespmem:s20+$0xFFFFFF80];
	v9 =	vnsel vm7, $0x1, v9;
	v3 =	vadd.s32 $0x1, v3;
	v6 =	vnsel vm6, $0x0, v6  }
0x6b: {  	v21 =	vld [tilespmem:s20+$0xFFFFFFA0];
	v11 =	vnsel vm13, $0x0, v11;
	[tilespmem:s18+$0xFFFFFFB0] =	vst v9;
	v3 =	vnsel vm8, $0x1, v3;
	v4 =	vadd.s32 $0x1, v4  }
0x6c: {  	v5 =	vadd.s32 $0x1, v5;
	v7 =	vld.idx.msk [tilespmem:v7+s3+$0x0], $0xffff;
	[tilespmem:s19+$0x10] =	vst v3;
	v3 =	vnsel vm3, $0x1, v4;
	v4 =	vadd.s32 $0x1, v10  }
0x6d: {  	v5 =	vnsel vm0, $0x1, v5;
	vm8 =	vlt.u32 v12, $0x186A0;
	v13 =	vld.idx.msk [tilespmem:v13+s3+$0x0], $0xffff;
	[tilespmem:s19+$0xFFFFFF90] =	vst v3;
	v3 =	vnsel vm1, $0x1, v4  }
0x6e: {  	vm0 =	vmmov vm13;
	vm9 =	vmmov vm9;
	v12 =	vnsel vm8, $0x0, v12;
	v15 =	vld.idx.msk [tilespmem:v15+s3+$0x0], $0xffff;
	[tilespmem:s18+$0x40] =	vst v3  }
0x6f: {  	vm12 =	vlt.u32 v20, $0x186A0;
	vm15 =	vlt.u32 v16, $0x186A0;
	vm10 =	vlt.u32 v14, $0x186A0;
	v60 =	vld.idx.msk [tilespmem:v6+s3+$0x0], $0xffff  }
0x70: {  	vm13 =	vmmov vm9;
	vm4 =	vmmov vm4;
	v14 =	vnsel vm10, $0x0, v14;
	v6 =	vld [tilespmem:s20+$0x10]  }
0x71: {  	v22 =	vld [tilespmem:s19+$0x40];
	vm3 =	vlt.u32 v19, $0x186A0;
	v3 =	vadd.s32 $0x1, v8;
	v8 =	vnsel vm12, $0x0, v20  }
0x72: {  	v10 =	vld [tilespmem:s20+$0xFFFFFFB0];
	v4 =	vnsel vm3, $0x0, v19;
	vm1 =	vmmov vm4;
	vm4 =	vlt.u32 v59, $0x186A0  }
0x73: {  	vm3 =	vmmov vm3;
	v18 =	vnsel vm4, $0x0, v59;
	v12 =	vld.idx.msk [tilespmem:v12+s3+$0x0], $0xffff;
	v13 =	vadd.s32 $0x1, v13  }
0x74: {  	v61 =	vnsel vm11, $0x1, v3;
	v3 =	vnsel vm15, $0x0, v16;
	v16 =	vld [tilespmem:s20+$0xFFFFFFC0];
	v13 =	vnsel vm2, $0x1, v13  }
0x75: {  	v7 =	vadd.s32 $0x1, v7;
	[tilespmem:s19+$0x20] =	vst v13;
	v13 =	vld.idx.msk [tilespmem:v14+s3+$0x0], $0xffff;
	v14 =	vadd.s32 $0x1, v15;
	vm9 =	vlt.u32 v6, $0x186A0  }
0x76: {  	vm11 =	vmmov vm15;
	v9 =	vnsel vm14, $0x1, v14;
	v15 =	vld.idx.msk [tilespmem:v8+s3+$0x0], $0xffff;
	v14 =	vnsel vm9, $0x0, v6  }
0x77: {  	v62 =	vld [tilespmem:s20+$0xFFFFFFD0];
	vm7 =	vlt.u32 v10, $0x186A0;
	vm2 =	vmmov vm5;
	vm5 =	vlt.u32 v22, $0x186A0;
	[tilespmem:s19+$0xFFFFFFA0] =	vst v9  }
0x78: {  	[tilespmem:s17+$0x50] =	vst v5;
	v63 =	vnsel vm5, $0x0, v22;
	vm14 =	vlt.u32 v21, $0x186A0;
	v5 =	vadd.s32 $0x1, v12;
	v11 =	vld.idx.msk [tilespmem:v11+s3+$0x0], $0xffff  }
0x79: {  	[tilespmem:s17+$0xFFFFFFC0] =	vst v61;
	v8 =	vnsel vm14, $0x0, v21;
	v9 =	vadd.s32 $0x1, v60;
	v12 =	vld [tilespmem:s20+$0x20];
	v5 =	vnsel vm8, $0x1, v5  }
0x7a: {  	v6 =	vnsel vm7, $0x0, v10;
	v10 =	vnsel vm6, $0x1, v9;
	v9 =	vld.idx.msk [tilespmem:v17+s3+$0x0], $0xffff;
	[tilespmem:s20+$0x0] =	vst v5;
	v13 =	vadd.s32 $0x1, v13  }
0x7b: {  	vm8 =	vlt.u32 v16, $0x186A0;
	[tilespmem:s18+$0x50] =	vst v10;
	v10 =	vnsel vm10, $0x1, v13;
	v13 =	vadd.s32 $0x1, v15;
	v14 =	vld.idx.msk [tilespmem:v14+s3+$0x0], $0xffff  }
0x7c: {  	vm6 =	vmmov vm14;
	v5 =	vnsel vm8, $0x0, v16;
	[tilespmem:s20+$0xFFFFFF80] =	vst v10;
	v15 =	vnsel vm12, $0x1, v13;
	v10 =	vld [tilespmem:s19+$0x50]  }
0x7d: {  	s25 =	simm.s32 $0x6;
	s26 =	simm.s32 $0x18B80;
	v16 =	vnsel vm13, $0x1, v7;
	vm10 =	vlt.u32 v62, $0x186A0;
	v13 =	vld.idx.msk [tilespmem:v18+s3+$0x0], $0xffff;
	v11 =	vadd.s32 $0x1, v11;
	[tilespmem:s19+$0x30] =	vst v15  }
0x7e: {  	s21 =	simm.s32 $0x0;
	s22 =	simm.s32 $0x0;
	s23 =	simm.s32 $0x0;
	[tilespmem:s18+$0xFFFFFFC0] =	vst v16;
	v7 =	vnsel vm10, $0x0, v62;
	vm13 =	vlt.u32 v12, $0x186A0;
	v15 =	vnsel vm0, $0x1, v11;
	v11 =	vld.idx.msk [tilespmem:v63+s3+$0x0], $0xffff  }
.LBB2_2:
0x7f: {  	[tilespmem:s19+$0xFFFFFFB0] =	vst v15;
	vm0 =	vmmov vm7;
	v15 =	vimm.s32 $0x0  }
0x80: {  	v16 =	vld [tilespmem:s26+$0x0];
	v15 =	vsel vm0, $0xFFFFFFFF, v15  }
0x81: {  	v12 =	vnsel vm13, $0x0, v12;
	v9 =	vadd.s32 $0x1, v9;
	[tilespmem:$0x1FFF0] =	vst v15;
	v15 =	vld [tilespmem:s26+$0xFFFFFF80]  }
0x82: {  	v14 =	vadd.s32 $0x1, v14;
	v18 =	vld [tilespmem:s20+$0x30];
	v9 =	vnsel vm1, $0x1, v9  }
0x83: {  	v17 =	vld [tilespmem:s26+$0xFFFFFF90];
	v14 =	vnsel vm9, $0x1, v14;
	vm1 =	vmmov vm2;
	[tilespmem:s17+$0xFFFFFFD0] =	vst v9  }
0x84: {  	vm2 =	vmmov vm11;
	vm11 =	vmmov vm10;
	s17 =	smov.u32 s18;
	s18 =	smov.u32 s19;
	s19 =	smov.u32 s20;
	v9 =	vld [tilespmem:s26+$0xFFFFFFA0];
	v13 =	vadd.s32 $0x1, v13  }
0x85: {  	[tilespmem:s19+$0x10] =	vst v14;
	v14 =	vld [tilespmem:s26+$0xFFFFFFB0];
	vm14 =	vlt.u32 v10, $0x186A0;
	v13 =	vnsel vm4, $0x1, v13;
	v11 =	vadd.s32 $0x1, v11  }
0x86: {  	v10 =	vnsel vm14, $0x0, v10;
	vm0 =	vlt.u32 v16, $0x186A0;
	v12 =	vld.idx.msk [tilespmem:v12+s21+$0x0], $0xffff;
	[tilespmem:s19+$0xFFFFFF90] =	vst v13;
	vm10 =	vlt.u32 v15, $0x186A0  }
0x87: {  	v11 =	vnsel vm5, $0x1, v11;
	v16 =	vnsel vm0, $0x0, v16;
	v13 =	vnsel vm10, $0x0, v15;
	v15 =	vld.idx.msk [tilespmem:v8+s21+$0x0], $0xffff  }
0x88: {  	vm15 =	vlt.u32 v18, $0x186A0;
	vm4 =	vlt.u32 v17, $0x186A0;
	[tilespmem:s18+$0x40] =	vst v11  }
0x89: {  	v18 =	vnsel vm15, $0x0, v18;
	v11 =	vnsel vm4, $0x0, v17;
	v17 =	vld [tilespmem:s26+$0x10];
	vm5 =	vlt.u32 v9, $0x186A0  }
0x8a: {  	v8 =	vnsel vm5, $0x0, v9;
	v9 =	vld [tilespmem:s26+$0xFFFFFFC0]  }
0x8b: {  	v10 =	vld.idx.msk [tilespmem:v10+s22+$0x0], $0xffff;
	v12 =	vadd.s32 $0x1, v12  }
0x8c: {  	v16 =	vld.idx.msk [tilespmem:v16+s24+$0x0], $0xffff;
	v12 =	vnsel vm13, $0x1, v12;
	v15 =	vadd.s32 $0x1, v15  }
0x8d: {  	[tilespmem:s19+$0x20] =	vst v12;
	v13 =	vld.idx.msk [tilespmem:v13+s24+$0x0], $0xffff;
	v12 =	vnsel vm6, $0x1, v15  }
0x8e: {  	vm9 =	vlt.u32 v17, $0x186A0;
	v15 =	vld.idx.msk [tilespmem:v18+s21+$0x0], $0xffff;
	[tilespmem:s19+$0xFFFFFFA0] =	vst v12  }
0x8f: {  	vm12 =	vmmov vm3;
	vm3 =	vmmov vm8;
	v17 =	vnsel vm9, $0x0, v17;
	v63 =	vld.idx.msk [tilespmem:v4+s22+$0x0], $0xffff  }
0x90: {  	v19 =	vld [tilespmem:s19+$0x40];
	vm7 =	vlt.u32 v14, $0x186A0;
	vm8 =	vlt.u32 v9, $0x186A0;
	v10 =	vadd.s32 $0x1, v10  }
0x91: {  	v10 =	vnsel vm14, $0x1, v10;
	v4 =	vmovc v5;
	v5 =	vnsel vm8, $0x0, v9;
	v20 =	vld.idx.msk [tilespmem:v6+s21+$0x0], $0xffff;
	v9 =	vadd.s32 $0x1, v16  }
0x92: {  	v14 =	vnsel vm7, $0x0, v14;
	v21 =	vld [tilespmem:s26+$0xFFFFFFD0];
	[tilespmem:s18+$0x50] =	vst v10;
	v9 =	vnsel vm0, $0x1, v9  }
0x93: {  	v6 =	vmov v14;
	v10 =	vadd.s32 $0x1, v13;
	[tilespmem:s26+$0x0] =	vst v9;
	v9 =	vld.idx.msk [tilespmem:v2+s23+$0x0], $0xffff  }
0x94: {  	v2 =	vmovc v3;
	v3 =	vmovc v7;
	v7 =	vnsel vm10, $0x1, v10;
	v14 =	vld.idx.msk [tilespmem:v17+s24+$0x0], $0xffff;
	v10 =	vadd.s32 $0x1, v15;
	v15 =	vadd.s32 $0x1, v63  }
0x95: {  	s25 =	sadd.s32 $0x2, s25;
	vm6 =	vmmov vm5;
	vm5 =	vlt.u32 v19, $0x186A0;
	v17 =	vnsel vm12, $0x1, v15;
	v15 =	vld [tilespmem:$0x1FFF0]  }
0x96: {  	p1 =	slt.u32 s25, $0x7E;
	v16 =	vnsel vm5, $0x0, v19;
	v12 =	vld [tilespmem:s26+$0x20]  }
.Ltmp0:
0x97: {  	_ = 	snop;
	(pc) =	sbr.rel @p1 .LBB2_2-.Ltmp0, $4  }
0x98: {  	_ = 	snop  }
0x99: {  	s23 =	smov.u32 s22;
	s22 =	smov.u32 s21;
	s21 =	smov.u32 s24;
	[tilespmem:s26+$0xFFFFFF80] =	vst v7;
	v7 =	vnsel vm15, $0x1, v10;
	v10 =	vld [tilespmem:s19+$0x50]  }
0x9a: {  	v13 =	vld.idx.msk [tilespmem:v11+s21+$0x0], $0xffff;
	vm10 =	vlt.u32 v21, $0x186A0;
	v11 =	vadd.s32 $0x1, v20;
	[tilespmem:s19+$0x30] =	vst v7;
	vm0 =	vnez.u8 v15  }
0x9b: {  	s20 =	smov.u32 s26;
	s26 =	sadd.s32 $0x100, s26;
	v7 =	vnsel vm10, $0x0, v21;
	vm13 =	vlt.u32 v12, $0x186A0;
	[tilespmem:s18+$0xFFFFFFC0] =	vst v17;
	v15 =	vnsel vm0, $0x1, v11;
	v11 =	vld.idx.msk [tilespmem:v16+s22+$0x0], $0xffff  }
0x9c: {  	v12 =	vnsel vm13, $0x0, v12;
	_ =	sdelay $0x1  }
0x9d: {  	v14 =	vadd.s32 $0x1, v14;
	v16 =	vld [tilespmem:s20+$0x30]  }
0x9e: {  	v14 =	vnsel vm9, $0x1, v14  }
0x9f: {  	[tilespmem:s20+$0x10] =	vst v14;
	v13 =	vadd.s32 $0x1, v13  }
0xa0: {  	v13 =	vnsel vm4, $0x1, v13;
	v12 =	vld.idx.msk [tilespmem:v12+s21+$0x0], $0xffff  }
0xa1: {  	[tilespmem:s20+$0xFFFFFF90] =	vst v13  }
0xa2: {  	vm0 =	vlt.u32 v16, $0x186A0;
	v8 =	vld.idx.msk [tilespmem:v8+s21+$0x0], $0xffff  }
0xa3: {  	v53 =	vnsel vm0, $0x0, v16;
	_ =	sdelay $0x1  }
0xa4: {  	v54 =	vld [tilespmem:s20+$0x40];
	v12 =	vadd.s32 $0x1, v12  }
0xa5: {  	v12 =	vnsel vm13, $0x1, v12  }
0xa6: {  	v8 =	vadd.s32 $0x1, v8;
	[tilespmem:s20+$0x20] =	vst v12  }
0xa7: {  	v8 =	vnsel vm6, $0x1, v8;
	v12 =	vld.idx.msk [tilespmem:v53+s21+$0x0], $0xffff  }
0xa8: {  	[tilespmem:s20+$0xFFFFFFA0] =	vst v8  }
0xa9: {  	vm12 =	vlt.u32 v54, $0x186A0;
	v6 =	vld.idx.msk [tilespmem:v6+s21+$0x0], $0xffff  }
0xaa: {  	v8 =	vnsel vm12, $0x0, v54;
	_ =	sdelay $0x1  }
0xab: {  	v55 =	vld [tilespmem:s20+$0x50];
	[tilespmem:s19+$0xFFFFFFB0] =	vst v15;
	v12 =	vadd.s32 $0x1, v12  }
0xac: {  	v4 =	vld.idx.msk [tilespmem:v4+s22+$0x0], $0xffff;
	v12 =	vnsel vm0, $0x1, v12  }
0xad: {  	vm13 =	vmmov vm7;
	v6 =	vadd.s32 $0x1, v6;
	[tilespmem:s20+$0x30] =	vst v12  }
0xae: {  	v6 =	vnsel vm13, $0x1, v6;
	v8 =	vld.idx.msk [tilespmem:v8+s21+$0x0], $0xffff  }
0xaf: {  	vm14 =	vlt.u32 v10, $0x186A0;
	[tilespmem:s20+$0xFFFFFFB0] =	vst v6  }
0xb0: {  	vm3 =	vmmov vm3;
	v10 =	vnsel vm14, $0x0, v10;
	vm0 =	vlt.u32 v55, $0x186A0;
	v5 =	vld.idx.msk [tilespmem:v5+s21+$0x0], $0xffff  }
0xb1: {  	v56 =	vadd.s32 $0x1, v11;
	v4 =	vadd.s32 $0x1, v4;
	v11 =	vnsel vm0, $0x0, v55  }
0xb2: {  	v4 =	vnsel vm3, $0x1, v4  }
0xb3: {  	v2 =	vld.idx.msk [tilespmem:v2+s23+$0x0], $0xffff;
	[tilespmem:s19+$0xFFFFFFC0] =	vst v4;
	v6 =	vnsel vm5, $0x1, v56;
	v57 =	vadd.s32 $0x1, v8  }
0xb4: {  	vm15 =	vmmov vm8;
	v3 =	vld.idx.msk [tilespmem:v3+s22+$0x0], $0xffff;
	[tilespmem:s19+$0x40] =	vst v6;
	v6 =	vnsel vm12, $0x1, v57  }
0xb5: {  	vm8 =	vmmov vm15;
	v8 =	vld.idx.msk [tilespmem:v10+s22+$0x0], $0xffff;
	v5 =	vadd.s32 $0x1, v5;
	[tilespmem:s20+$0x40] =	vst v6  }
0xb6: {  	v5 =	vnsel vm8, $0x1, v5;
	v58 =	vld.idx.msk [tilespmem:v11+s21+$0x0], $0xffff  }
0xb7: {  	[tilespmem:s20+$0xFFFFFFC0] =	vst v5  }
0xb8: {  	v59 =	vadd.s32 $0x1, v9;
	vm11 =	vmmov vm11;
	v61 =	vld.idx.msk [tilespmem:v7+s21+$0x0], $0xffff  }
0xb9: {  	v60 =	vnsel vm1, $0x1, v59;
	vm9 =	vmmov vm2;
	v2 =	vadd.s32 $0x1, v2  }
0xba: {  	p5 =	por $0x1, $0x1;
	[tilespmem:s17+$0xFFFFFFD0] =	vst v60;
	v2 =	vnsel vm9, $0x1, v2;
	v3 =	vadd.s32 $0x1, v3;
	v62 =	vadd.s32 $0x1, v8  }
.Ltmp1:
0xbb: {  	[tilespmem:s18+$0xFFFFFFD0] =	vst v2;
	vm12 =	vmmov vm10;
	v63 =	vnsel vm14, $0x1, v62;
	v4 =	vadd.s32 $0x1, v58;
	(pc) =	sbr.rel @!p5 .LBB2_4-.Ltmp1, $4  }
0xbc: {  	vm13 =	vmmov vm11;
	vm14 =	vmmov vm12;
	[tilespmem:s19+$0x50] =	vst v63;
	v2 =	vnsel vm0, $0x1, v4  }
0xbd: {  	vm15 =	vmmov vm14;
	[tilespmem:s20+$0x50] =	vst v2;
	v2 =	vnsel vm13, $0x1, v3;
	v3 =	vadd.s32 $0x1, v61  }
0xbe: {  	p1 =	por $0x0, $0x0;
	p2 =	por $0x0, $0x0;
	p3 =	por $0x0, $0x0;
	[tilespmem:s19+$0xFFFFFFD0] =	vst v2;
	v2 =	vnsel vm15, $0x1, v3;
	v3 =	vmov s24  }
0xbf: {  	p4 =	por $0x0, $0x0;
	s17 =	simm.s32 $0x4;
	s18 =	simm.s32 $0x8;
	[tilespmem:s20+$0xFFFFFFD0] =	vst v2;
	v10 =	vshll.u32 v3, $0x7  }
0xc0: {  	p5 =	por $0x1, $0x1  }
.Ltmp2:
0xc1: {  	_ = 	snop;
	(pc) =	sbr.rel @!p5 .LBB2_6-.Ltmp2, $4  }
0xc2: {  	v2 =	vmov s17  }
0xc3: {  	v2 =	vshll.u32 v2, $0x7  }
0xc4: {  	v3 =	vor.u32 v0, v10;
	v5 =	vmov s18;
	v2 =	vor.u32 v0, v2  }
0xc5: {  	s17 =	simm.s32 $0xC;
	s18 =	simm.s32 $0x10;
	p1 =	por $0x1, $0x1;
	v4 =	vor.u32 v1, v3;
	v10 =	vshll.u32 v5, $0x7;
	v2 =	vor.u32 v1, v2  }
0xc6: {  	_ =	sdelay $0x3  }
0xc7: {  	v9 =	vld.idx.msk [tilespmem:v4+s12+$0x0], $0xffff;
	p5 =	por $0x1, $0x1  }
.Ltmp3:
0xc8: {  	_ = 	snop;
	(pc) =	sbr.rel @!p5 .LBB2_8-.Ltmp3, $4  }
0xc9: {  	v3 =	vmov s17  }
0xca: {  	v5 =	vor.u32 v0, v10;
	v3 =	vshll.u32 v3, $0x7  }
0xcb: {  	v7 =	vmov s18;
	v6 =	vor.u32 v1, v5;
	v3 =	vor.u32 v0, v3  }
0xcc: {  	v13 =	vld.idx.msk [tilespmem:v2+s12+$0x0], $0xffff;
	s17 =	simm.s32 $0x14;
	s18 =	simm.s32 $0x18;
	p2 =	por $0x1, $0x1;
	v10 =	vshll.u32 v7, $0x7;
	v5 =	vor.u32 v1, v3;
	vm1 =	vlt.u32 v9, $0x186A0  }
0xcd: {  	_ =	sdelay $0x3  }
0xce: {  	v8 =	vnsel vm1, $0x0, v9;
	vm0 =	vlt.u32 v13, $0x186A0  }
0xcf: {  	v14 =	vld.idx.msk [tilespmem:v6+s12+$0x0], $0xffff;
	p5 =	por $0x1, $0x1;
	v9 =	vnsel vm0, $0x0, v13  }
.Ltmp4:
0xd0: {  	v3 =	vmov s17;
	(pc) =	sbr.rel @!p5 .LBB2_10-.Ltmp4, $4  }
0xd1: {  	v7 =	vor.u32 v0, v10;
	v10 =	vshll.u32 v3, $0x7  }
0xd2: {  	v15 =	vld.idx.msk [tilespmem:v5+s12+$0x0], $0xffff;
	v3 =	vor.u32 v1, v7;
	v7 =	vor.u32 v0, v10  }
0xd3: {  	vm3 =	vmmov vm1;
	v10 =	vmov s18;
	v7 =	vor.u32 v1, v7;
	v16 =	vld.idx.msk [tilespmem:v8+s3+$0x0], $0xffff  }
0xd4: {  	s17 =	simm.s32 $0x1C;
	p3 =	por $0x1, $0x1;
	s18 =	simm.s32 $0x20;
	v10 =	vshll.u32 v10, $0x7;
	vm2 =	vmmov vm0;
	vm0 =	vlt.u32 v14, $0x186A0;
	v18 =	vld.idx.msk [tilespmem:v9+s3+$0x0], $0xffff  }
0xd5: {  	v12 =	vnsel vm0, $0x0, v14;
	_ =	sdelay $0x1  }
0xd6: {  	v10 =	vor.u32 v0, v10;
	vm1 =	vlt.u32 v15, $0x186A0  }
0xd7: {  	v11 =	vor.u32 v1, v10;
	v17 =	vnsel vm1, $0x0, v15  }
0xd8: {  	vm4 =	vmmov vm1;
	vm1 =	vmmov vm3;
	v10 =	vadd.s32 $0x1, v16  }
0xd9: {  	v21 =	vld.idx.msk [tilespmem:v12+s3+$0x0], $0xffff;
	v12 =	vnsel vm1, $0x1, v10  }
0xda: {  	v8 =	vmov s17  }
0xdb: {  	v9 =	vld.idx.msk [tilespmem:v3+s12+$0x0], $0xffff;
	p5 =	por $0x1, $0x1;
	v8 =	vshll.u32 v8, $0x7  }
.Ltmp5:
0xdc: {  	v13 =	vld.idx.msk [tilespmem:v7+s12+$0x0], $0xffff;
	v8 =	vor.u32 v0, v8;
	[tilespmem:v4+s12+$0x0] =	vst.idx.msk $0xffff, v12;
	v12 =	vmov v2;
	(pc) =	sbr.rel @!p5 .LBB2_12-.Ltmp5, $3  }
0xdd: {  	v8 =	vor.u32 v1, v8;
	v20 =	vadd.s32 $0x1, v18;
	_ =	sdelay $0x1  }
0xde: {  	vm6 =	vmmov vm2;
	vm5 =	vmmov vm0;
	v19 =	vmov s18  }
0xdf: {  	s17 =	simm.s32 $0x24;
	s18 =	simm.s32 $0x28;
	p4 =	por $0x1, $0x1;
	v10 =	vshll.u32 v19, $0x7;
	vm1 =	vlt.u32 v9, $0x186A0;
	v19 =	vnsel vm6, $0x1, v20;
	v20 =	vmovc v5;
	v22 =	vld.idx.msk [tilespmem:v17+s3+$0x0], $0xffff;
	v17 =	vmovc v6  }
.LBB2_13:
0xe0: {  	p5 =	slt.u32 s18, $0x78;
	v23 =	vmov s17;
	v24 =	vnsel vm1, $0x0, v9;
	v9 =	vld.idx.msk [tilespmem:v11+s12+$0x0], $0xffff;
	vm6 =	vlt.u32 v13, $0x186A0;
	[tilespmem:v12+s12+$0x0] =	vst.idx.msk $0xffff, v19;
	v25 =	vmovc v3;
	v3 =	vmovc v11  }
0xe1: {  	v10 =	vor.u32 v0, v10;
	v12 =	vmovc v20;
	v20 =	vmovc v7;
	v19 =	vshll.u32 v23, $0x7;
	v23 =	vnsel vm6, $0x0, v13;
	v13 =	vld.idx.msk [tilespmem:v8+s12+$0x0], $0xffff  }
.Ltmp6:
0xe2: {  	v7 =	vmovc v8;
	vm7 =	vmmov vm4;
	v11 =	vor.u32 v1, v10;
	v10 =	vor.u32 v0, v19;
	(pc) =	sbr.rel @p5 .LBB2_13-.Ltmp6, $4  }
0xe3: {  	vm4 =	vmmov vm6;
	vm6 =	vmmov vm5;
	v8 =	vor.u32 v1, v10  }
0xe4: {  	vm5 =	vmmov vm1;
	v10 =	vadd.s32 $0x1, v21  }
0xe5: {  	v19 =	vmov s18;
	v26 =	vadd.s32 $0x1, v22;
	v21 =	vld.idx.msk [tilespmem:v24+s3+$0x0], $0xffff;
	v24 =	vnsel vm6, $0x1, v10  }
0xe6: {  	s17 =	sadd.s32 $0x4, s18;
	s18 =	sadd.s32 $0x8, s18;
	v10 =	vshll.u32 v19, $0x7;
	vm1 =	vlt.u32 v9, $0x186A0;
	v19 =	vnsel vm7, $0x1, v26;
	v22 =	vld.idx.msk [tilespmem:v23+s3+$0x0], $0xffff;
	[tilespmem:v17+s12+$0x0] =	vst.idx.msk $0xffff, v24;
	v17 =	vmovc v25  }
.LBB2_14:
0xe7: {  	_ =	sdelay $0x1  }
0xe8: {  	v23 =	vmov s17  }
0xe9: {  	v10 =	vor.u32 v0, v10;
	v23 =	vshll.u32 v23, $0x7  }
0xea: {  	v24 =	vld.idx.msk @p1 [tilespmem:v11+s12+$0x0], $0xffff;
	v10 =	vor.u32 v1, v10;
	v23 =	vor.u32 v0, v23  }
0xeb: {  	v25 =	vld.idx.msk @p1 [tilespmem:v8+s12+$0x0], $0xffff;
	v23 =	vor.u32 v1, v23  }
0xec: {  	v9 =	vnsel @p2 vm1, $0x0, v9;
	vm6 =	vlt.u32 @p2 v13, $0x186A0;
	vm5 =	vmmov @p3 vm5  }
0xed: {  	vm4 =	vmmov @p3 vm4;
	vm1 =	vmmov @p2 vm1;
	v13 =	vnsel @p2 vm6, $0x0, v13  }
0xee: {  	v6 =	vpsel p1, v11, v6;
	v20 =	vpsel p3, v20, v0;
	v21 =	vadd.s32 @p3 $0x1, v21  }
0xef: {  	v2 =	vpsel p2, v7, v2;
	v21 =	vnsel @p3 vm5, $0x1, v21;
	vm5 =	vlt.u32 @p1 v24, $0x186A0;
	v61 =	vld.idx.msk [tilespmem:v10+s12+$0x0], $0xffff  }
0xf0: {  	v14 =	vpsel p1, v24, v14;
	v15 =	vpsel p1, v25, v15;
	vm0 =	vmmov @p1 vm5;
	v62 =	vld.idx.msk [tilespmem:v23+s12+$0x0], $0xffff  }
0xf1: {  	v5 =	vpsel p1, v8, v5;
	vm5 =	vlt.u32 @p1 v15, $0x186A0;
	v14 =	vnsel @p1 vm0, $0x0, v14  }
0xf2: {  	v3 =	vpsel p2, v3, v4;
	vm6 =	vmmov @p2 vm6;
	v13 =	vld.idx.msk @p2 [tilespmem:v13+s3+$0x0], $0xffff;
	v15 =	vnsel @p1 vm5, $0x0, v15  }
0xf3: {  	vm3 =	vmmov @p2 vm1;
	v2 =	vpsel p2, v2, v0;
	v5 =	vpsel p1, v5, v0;
	v9 =	vld.idx.msk @p2 [tilespmem:v9+s3+$0x0], $0xffff  }
0xf4: {  	v6 =	vpsel p1, v6, v0;
	vm2 =	vmmov @p2 vm6;
	vm11 =	vlt.u32 v61, $0x186A0  }
0xf5: {  	vm3 =	vmmov @p2 vm3;
	v63 =	vnsel vm11, $0x0, v61;
	vm12 =	vlt.u32 v62, $0x186A0  }
0xf6: {  	v5 =	vpsel p1, v5, v0;
	v22 =	vadd.s32 @p3 $0x1, v22;
	v4 =	vld.idx.msk @p1 [tilespmem:v14+s3+$0x0], $0xffff;
	v11 =	vnsel vm12, $0x0, v62  }
0xf7: {  	vm2 =	vmmov @p2 vm2;
	v22 =	vnsel @p3 vm4, $0x1, v22;
	v8 =	vpsel p2, v13, v18;
	v13 =	vld.idx.msk @p1 [tilespmem:v15+s3+$0x0], $0xffff  }
0xf8: {  	v22 =	vpsel p3, v22, v0;
	vm0 =	vmmov @p1 vm0;
	v7 =	vpsel p2, v9, v16  }
0xf9: {  	[tilespmem:v12+s12+$0x0] =	vst.idx.msk @p4 $0xffff, v19;
	vm5 =	vmmov @p1 vm5;
	vm0 =	vmmov @p1 vm0;
	v7 =	vadd.s32 @p2 $0x1, v7  }
0xfa: {  	[tilespmem:v17+s12+$0x0] =	vst.idx.msk @p3 $0xffff, v21;
	vm0 =	vmmov @p1 vm0;
	v7 =	vnsel @p2 vm3, $0x1, v7;
	v8 =	vadd.s32 @p2 $0x1, v8;
	v9 =	vld.idx.msk [tilespmem:v63+s3+$0x0], $0xffff  }
0xfb: {  	[tilespmem:v20+s12+$0x0] =	vst.idx.msk @p3 $0xffff, v22;
	vm1 =	vmmov vm11;
	v8 =	vnsel @p2 vm2, $0x1, v8;
	vm2 =	vmmov @p1 vm5;
	v11 =	vld.idx.msk [tilespmem:v11+s3+$0x0], $0xffff  }
0xfc: {  	v8 =	vpsel p2, v8, v0;
	v4 =	vpsel p1, v4, v0;
	v12 =	vpsel p1, v13, v0  }
0xfd: {  	[tilespmem:v3+s12+$0x0] =	vst.idx.msk @p2 $0xffff, v7;
	vm2 =	vmmov @p1 vm2;
	v3 =	vadd.s32 @p1 $0x1, v4;
	v4 =	vadd.s32 @p1 $0x1, v12  }
0xfe: {  	vm14 =	vmmov vm1;
	[tilespmem:v2+s12+$0x0] =	vst.idx.msk @p2 $0xffff, v8;
	v2 =	vnsel @p1 vm0, $0x1, v3;
	v3 =	vnsel @p1 vm2, $0x1, v4  }
0xff: {  	vm13 =	vmmov vm12;
	[tilespmem:v6+s12+$0x0] =	vst.idx.msk @p1 $0xffff, v2;
	v2 =	vpsel p1, v3, v0;
	v3 =	vadd.s32 $0x1, v9  }
0x100: {  	vm15 =	vmmov vm13;
	[tilespmem:v5+s12+$0x0] =	vst.idx.msk @p1 $0xffff, v2;
	v2 =	vnsel vm14, $0x1, v3;
	v3 =	vadd.s32 $0x1, v11  }
0x101: {  	s16 =	sadd.s32 $0x1, s16;
	[tilespmem:v10+s12+$0x0] =	vst.idx.msk $0xffff, v2;
	v2 =	vnsel vm15, $0x1, v3  }
0x102: {  	p1 =	sne.s32 s16, s11;
	[tilespmem:v23+s12+$0x0] =	vst.idx.msk $0xffff, v2  }
0x103: {  	[hbm4b:s10+s3] =	stream.linear.scatter [tilespmem:s12], [sflag:$0x4], $0x4000, $0x38;
	[tilespmem:$0x1DF70] =	vst v63  }
.Ltmp7:
0x104: {  	_ = 	snop;
	(pc) =	sbr.rel @p1 .LBB2_1-.Ltmp7, $4  }
.Ltmp8:
0x105: {  	_ = 	snop;
	(pc) =	sbr.rel @!p1 .LBB2_15-.Ltmp8, $4  }
0x106: {  	_ =	swait.ge [sflag:s15], $0x4000  }
0x107: {  	[sflag:s15] =	ssyncset.done $0x0  }
0x108: {  	[sflag:s15] =	ssyncadd.s32 $0xFFFFC000  }
0x109: {  	_ = 	snop  }
.LBB2_4:
.Ltmp9:
0x10a: {  	(pc) =	sbr.rel .LBB2_14-.Ltmp9, $2  }
0x10b: {  	_ =	sdelay $0x2  }
0x10c: {  	_ = 	snop  }
.LBB2_6:
.Ltmp10:
0x10d: {  	(pc) =	sbr.rel .LBB2_14-.Ltmp10, $2  }
0x10e: {  	_ =	sdelay $0x2  }
0x10f: {  	v11 =	vmov v4;
	v8 =	vmov v2  }
.LBB2_8:
.Ltmp11:
0x110: {  	(pc) =	sbr.rel .LBB2_14-.Ltmp11, $2  }
0x111: {  	_ =	sdelay $0x2  }
0x112: {  	v11 =	vmovc v6;
	v3 =	vmov v4;
	v8 =	vmov v5;
	v7 =	vmov v2  }
.LBB2_10:
.Ltmp12:
0x113: {  	_ = 	snop;
	(pc) =	sbr.rel .LBB2_14-.Ltmp12, $4  }
0x114: {  	_ = 	snop  }
0x115: {  	v11 =	vmov v3;
	v8 =	vmov v7;
	vm1 =	vmmov vm0  }
0x116: {  	v9 =	vmovc v14;
	v3 =	vmovc v6;
	v20 =	vmov v2;
	v7 =	vmov v5;
	vm4 =	vmmov vm2  }
0x117: {  	vm5 =	vmmov vm3;
	v17 =	vmovc v4;
	v13 =	vmovc v15;
	v21 =	vmov v16;
	v22 =	vmov v18  }
.LBB2_12:
.Ltmp13:
0x118: {  	(pc) =	sbr.rel .LBB2_14-.Ltmp13, $2  }
0x119: {  	_ =	sdelay $0x2  }
0x11a: {  	v12 =	vmov v2;
	v20 =	vmov v5;
	v17 =	vmov v6  }
.LBB2_15:
0x11b: {  	_ =	sfence.sel $0x180000  }
0x11c: {  	[bflag:$0x0] =	sbarrier.arrive $0xFFFF  }
0x11d: {  	p0 =	sne.s32 s1, $0x0;
	_ =	strace $0x90000047  }
0x11e: {  	s0 =	sadd.s32 @!p0 $0x100000, s0;
	[bflag:$0x2] =	sbarrier.arrive $0xFFFF  }
0x11f: {  	[sflag:s0] =	ssyncadd.tile.s32 @!p0 $0x1;
	_ =	shalt  }
.Lfunc_end2:
_tile_overlayer_lowered:
.L_overlay_start_2:
0x120: {  	(tag) =	ssettag $0x2  }
0x121: {  	s0 =	rddreg [dreg:$0x0];
	s2 =	stileid.u32  }
0x122: {  	s1 =	rddreg [dreg:$0x1];
	p0 =	sne.s32 s2, $0x0  }
0x123: {  	s3 =	rddreg [dreg:$0x2];
	[bflag:$0x3] =	sbarrier.arrive $0xFFFF;
	s2 =	simm.s32 @!p0 $0x1C04  }
0x124: {  	[timem:s3], [sflag:s2] =	dma.local @!p0 [hbm:s0], s1  }
0x125: {  	s0 =	simm.s32 @!p0 $0x4  }
0x126: {  	_ =	swait.ge @!p0 [sflag:s0], s1  }
0x127: {  	s1 =	ssub.s32 @!p0 $0x0, s1;
	[sflag:s0] =	ssyncset.done @!p0 $0x0  }
0x128: {  	[sflag:s0] =	ssyncadd.s32 @!p0 s1  }
0x129: {  	[bflag:$0x3] =	sbarrier.arrive $0xFFFF  }
0x12a: {  	_ =	shalt  }

</sc_bundles>
